<compile_context>
chip_gen: v7x
topology: tpu7x:2x2x1
jax: 0.10.2.dev20260603
libtpu: 0.0.44.dev20260713+nightly
codegen_flags: <defaults>
</compile_context>

<pallas_src>
import functools

import jax
import jax.numpy as jnp
from jax import lax
from jax.experimental import pallas as pl
from jax.experimental.pallas import tpu as pltpu
from jax.experimental.pallas import tpu_sc as plsc

_B = 128
_V = 32128
_K = 64
_L = 16
_NC = 2
_NS = 16
_NW = _NC * _NS
_NCH = _V // _L

_B_SC = 32
_B_TC = _B - _B_SC
_BLK = 16



def _tc_body(x_ref, o_ref):
    sign = jnp.int32(-0x80000000)
    low31 = jnp.int32(0x7FFFFFFF)
    x = x_ref[...]
    bits = jax.lax.bitcast_convert_type(x, jnp.int32)
    mkey = jnp.where(bits < 0, bits ^ low31, bits)

    def step(i, uprefix):
        bit = lax.shift_left(jnp.int32(1), jnp.int32(31) - i)
        ut = uprefix | bit
        st = ut ^ sign
        cnt = jnp.sum((mkey >= st).astype(jnp.int32), axis=1, keepdims=True)
        return jnp.where(cnt >= _K, ut, uprefix)

    uprefix = lax.fori_loop(0, 32, step, jnp.zeros((_BLK, 1), jnp.int32))
    kkey = uprefix ^ sign
    fbits = jnp.where(kkey < 0, kkey ^ low31, kkey)
    kth = jax.lax.bitcast_convert_type(fbits, jnp.float32)

    m = jnp.max(x, axis=1, keepdims=True)
    e = jnp.where(x < kth, 0.0, jnp.exp(x - m))
    z = jnp.sum(e, axis=1, keepdims=True)
    o_ref[...] = e * (1.0 / z)



def _vec(s):
    return jnp.broadcast_to(s, (_L,))


def _splat_reduce(x, op, tmp):
    for sh in (1, 2, 4, 8):
        tmp[pl.ds(0, _L)] = x
        tmp[pl.ds(_L, _L)] = x
        x = op(x, tmp[pl.ds(sh, _L)])
    return x


def _sc_body(x_hbm, key_hbm, out_hbm, row_v, key_v, tmp_f, tmp_i):
    wid = lax.axis_index("s") * _NC + lax.axis_index("c")

    i32_zero = jnp.zeros((_L,), jnp.int32)
    f32_zero = jnp.zeros((_L,), jnp.float32)
    f32_one = jnp.ones((_L,), jnp.float32)
    i32_one = jnp.ones((_L,), jnp.int32)
    sign_v = jnp.full((_L,), -0x80000000, jnp.int32)
    k_v = jnp.full((_L,), _K, jnp.int32)
    neg_inf = jnp.full((_L,), -jnp.inf, jnp.float32)

    pltpu.sync_copy(x_hbm.at[wid], row_v)
    pltpu.sync_copy(key_hbm.at[wid], key_v)

    min_key = jnp.full((_L,), -0x80000000, jnp.int32)

    @plsc.parallel_loop(0, _NCH, step=4,
                        carry=(neg_inf, neg_inf, min_key, min_key,
                               min_key, min_key))
    def p1(j, gm):
        f0, f1, k0, k1, k2, k3 = gm
        b = j * _L
        f0 = jnp.maximum(f0, row_v[pl.ds(b, _L)])
        f1 = jnp.maximum(f1, row_v[pl.ds(b + 2 * _L, _L)])
        f0 = jnp.maximum(f0, row_v[pl.ds(b + _L, _L)])
        f1 = jnp.maximum(f1, row_v[pl.ds(b + 3 * _L, _L)])
        k0 = jnp.maximum(k0, key_v[pl.ds(b, _L)])
        k1 = jnp.maximum(k1, key_v[pl.ds(b + _L, _L)])
        k2 = jnp.maximum(k2, key_v[pl.ds(b + 2 * _L, _L)])
        k3 = jnp.maximum(k3, key_v[pl.ds(b + 3 * _L, _L)])
        return (f0, f1, k0, k1, k2, k3)

    f0, f1, k0, k1, k2, k3 = p1
    m = _splat_reduce(jnp.maximum(f0, f1), jnp.maximum, tmp_f)
    lo2 = jnp.minimum(jnp.minimum(k0, k1), jnp.minimum(k2, k3))
    hi2 = jnp.maximum(jnp.maximum(k0, k1), jnp.maximum(k2, k3))
    t0k = _splat_reduce(lo2, jnp.minimum, tmp_i)
    mxk = _splat_reduce(hi2, jnp.maximum, tmp_i)

    ut0 = t0k ^ sign_v
    umx = mxk ^ sign_v
    d = ut0 ^ umx
    d = d | lax.shift_right_logical(d, _vec(jnp.int32(1)))
    d = d | lax.shift_right_logical(d, _vec(jnp.int32(2)))
    d = d | lax.shift_right_logical(d, _vec(jnp.int32(4)))
    d = d | lax.shift_right_logical(d, _vec(jnp.int32(8)))
    d = d | lax.shift_right_logical(d, _vec(jnp.int32(16)))
    prefix0 = umx & ~d
    bit0 = lax.shift_right_logical(d, _vec(jnp.int32(1))) + i32_one
    pc = d - (lax.shift_right_logical(d, _vec(jnp.int32(1)))
              & jnp.full((_L,), 0x55555555, jnp.int32))
    pc = ((pc & jnp.full((_L,), 0x33333333, jnp.int32)) +
          (lax.shift_right_logical(pc, _vec(jnp.int32(2)))
           & jnp.full((_L,), 0x33333333, jnp.int32)))
    pc = ((pc + lax.shift_right_logical(pc, _vec(jnp.int32(4))))
          & jnp.full((_L,), 0x0F0F0F0F, jnp.int32))
    pc = lax.shift_right_logical(pc * jnp.full((_L,), 0x01010101, jnp.int32),
                                 _vec(jnp.int32(24)))
    n_it = pc[0]

    def srch_body(i, c):
        uprefix, bitv = c
        ut = uprefix | bitv
        st = ut ^ sign_v

        @plsc.parallel_loop(0, _NCH, step=8,
                            carry=(i32_zero, i32_zero, i32_zero, i32_zero))
        def cnt(j, accs):
            a0, a1, a2, a3 = accs
            b = j * _L
            a0 = a0 + jnp.where(key_v[pl.ds(b, _L)] >= st, i32_one, i32_zero)
            a1 = a1 + jnp.where(key_v[pl.ds(b + _L, _L)] >= st, i32_one, i32_zero)
            a2 = a2 + jnp.where(key_v[pl.ds(b + 2 * _L, _L)] >= st, i32_one, i32_zero)
            a3 = a3 + jnp.where(key_v[pl.ds(b + 3 * _L, _L)] >= st, i32_one, i32_zero)
            a0 = a0 + jnp.where(key_v[pl.ds(b + 4 * _L, _L)] >= st, i32_one, i32_zero)
            a1 = a1 + jnp.where(key_v[pl.ds(b + 5 * _L, _L)] >= st, i32_one, i32_zero)
            a2 = a2 + jnp.where(key_v[pl.ds(b + 6 * _L, _L)] >= st, i32_one, i32_zero)
            a3 = a3 + jnp.where(key_v[pl.ds(b + 7 * _L, _L)] >= st, i32_one, i32_zero)
            return (a0, a1, a2, a3)

        a0, a1, a2, a3 = cnt
        total = _splat_reduce((a0 + a1) + (a2 + a3), jnp.add, tmp_i)
        uprefix = jnp.where(total >= k_v, ut, uprefix)
        return (uprefix, lax.shift_right_logical(bitv, _vec(jnp.int32(1))))

    uprefix, _ = lax.fori_loop(0, n_it, srch_body, (prefix0, bit0))
    kth_key = uprefix ^ sign_v

    @plsc.parallel_loop(0, _NCH, step=2, carry=(f32_zero, f32_zero))
    def p4(j, zaccs):
        z0, z1 = zaccs
        b = j * _L
        v0 = row_v[pl.ds(b, _L)]
        v1 = row_v[pl.ds(b + _L, _L)]
        kv0 = key_v[pl.ds(b, _L)]
        kv1 = key_v[pl.ds(b + _L, _L)]
        e0 = jnp.where(kv0 >= kth_key, jnp.exp(v0 - m), f32_zero)
        e1 = jnp.where(kv1 >= kth_key, jnp.exp(v1 - m), f32_zero)
        row_v[pl.ds(b, _L)] = e0
        row_v[pl.ds(b + _L, _L)] = e1
        return (z0 + e0, z1 + e1)

    z0, z1 = p4
    rz = f32_one / _splat_reduce(z0 + z1, jnp.add, tmp_f)

    @plsc.parallel_loop(0, _NCH, step=4)
    def p5(j):
        b = j * _L
        row_v[pl.ds(b, _L)] = row_v[pl.ds(b, _L)] * rz
        row_v[pl.ds(b + _L, _L)] = row_v[pl.ds(b + _L, _L)] * rz
        row_v[pl.ds(b + 2 * _L, _L)] = row_v[pl.ds(b + 2 * _L, _L)] * rz
        row_v[pl.ds(b + 3 * _L, _L)] = row_v[pl.ds(b + 3 * _L, _L)] * rz

    pltpu.sync_copy(row_v, out_hbm.at[wid])



@jax.jit
def kernel(next_logits, k):
    del k

    x_tc = next_logits[:_B_TC]
    x_sc = next_logits[_B_TC:]
    bits_sc = jax.lax.bitcast_convert_type(x_sc, jnp.int32)
    keys_sc = jnp.where(bits_sc < 0, bits_sc ^ jnp.int32(0x7FFFFFFF), bits_sc)

    out_tc = pl.pallas_call(
        _tc_body,
        out_shape=jax.ShapeDtypeStruct((_B_TC, _V), jnp.float32),
        grid=(_B_TC // _BLK,),
        in_specs=[pl.BlockSpec((_BLK, _V), lambda i: (i, 0))],
        out_specs=pl.BlockSpec((_BLK, _V), lambda i: (i, 0)),
    )(x_tc)

    mesh = plsc.VectorSubcoreMesh(core_axis_name="c", subcore_axis_name="s")
    sc_fn = functools.partial(
        pl.kernel,
        mesh=mesh,
        out_type=jax.ShapeDtypeStruct((_B_SC, _V), jnp.float32),
        scratch_types=[
            pltpu.VMEM((_V,), jnp.float32),
            pltpu.VMEM((_V,), jnp.int32),
            pltpu.VMEM((2 * _L,), jnp.float32),
            pltpu.VMEM((2 * _L,), jnp.int32),
        ],
    )(_sc_body)
    out_sc = sc_fn(x_sc, keys_sc)

    return jnp.concatenate([out_tc, out_sc], axis=0)

# --- scband reference (transcript-rebuilt; emitter-appended) ---
"""Pipeline reference for scband-co-lt5-48541720379434 (READ-ONLY COPY).

The authoritative reference and input builder live on the scoring server;
editing this copy changes nothing except your own understanding.
"""

import jax, jax.numpy as jnp
import numpy as np


def setup_inputs(seed: int = 0) -> dict:
    key = jax.random.key(seed)
    next_logits = jax.random.normal(key, (128, 32128), dtype=jnp.float32)
    return {"next_logits": next_logits, "k": 64}


def reference(next_logits, k):
    # Faithful translation of the top-k masking step inside CoLT5.generate():
    #   next_logits = logits[batch_indices, next_token_positions, :] / temperature
    #   topk_logits, topk_indices = torch.topk(next_logits, top_k, dim=-1)
    #   mask = next_logits < topk_logits[:, -1].unsqueeze(-1)
    #   next_logits[mask] = float('-inf')
    #   probs = F.softmax(next_logits, dim=-1)
    temperature = 1.0
    k_static = 64
    logits = next_logits / temperature
    logits = logits + (jnp.asarray(k, dtype=logits.dtype) - k_static) * jnp.zeros((), dtype=logits.dtype)
    topk_logits, topk_indices = jax.lax.top_k(logits, k_static)
    kth = topk_logits[:, -1][:, None]
    mask = logits < kth
    masked = jnp.where(mask, -jnp.inf, logits)
    probs = jax.nn.softmax(masked, axis=-1)
    return probs

if __name__ == "__main__":
    import jax
    _d = setup_inputs()
    print(jax.jit(kernel)(*tuple(_d.values())))

</pallas_src>

<mosaic_0001>
#map = affine_map<(d0, d1) -> (0, 0)>
module attributes {stable_mosaic.version = 14 : i64} {
  func.func @_sc_body(%arg0: i32, %arg1: i32, %arg2: memref<32x32128xf32, #tpu.memory_space<hbm>>, %arg3: memref<32x32128xi32, #tpu.memory_space<hbm>>, %arg4: memref<32x32128xf32, #tpu.memory_space<hbm>>, %arg5: memref<32128xf32, #tpu.memory_space<vmem>>, %arg6: memref<32128xi32, #tpu.memory_space<vmem>>, %arg7: memref<32xf32, #tpu.memory_space<vmem>>, %arg8: memref<32xi32, #tpu.memory_space<vmem>>) attributes {dimension_semantics = [#tpu.dimension_semantics<core_parallel>, #tpu.dimension_semantics<subcore_parallel>], iteration_bounds = array<i64: 2, 16>, scalar_prefetch = 0 : i64, scratch_operands = 4 : i64, tpu.core_type = #tpu.core_type<sc_vector_subcore>, window_params = [{transform_indices = #map}, {transform_indices = #map}, {transform_indices = #map}]} {
    %mul3A = arith.constant 2 : i32
    %mul3A_0 = arith.muli %arg1, %mul3A : i32
    %add3A = arith.addi %mul3A_0, %arg0 : i32
    %broadcast_in_dim3A = arith.constant 0 : i32
    %broadcast_in_dim3A_1 = vector.broadcast %broadcast_in_dim3A : i32 to vector<16xi32>
    %broadcast_in_dim3A_2 = arith.constant 0.000000e+00 : f32
    %broadcast_in_dim3A_3 = vector.broadcast %broadcast_in_dim3A_2 : f32 to vector<16xf32>
    %broadcast_in_dim3A_4 = arith.constant 1.000000e+00 : f32
    %broadcast_in_dim3A_5 = vector.broadcast %broadcast_in_dim3A_4 : f32 to vector<16xf32>
    %broadcast_in_dim3A_6 = arith.constant 1 : i32
    %broadcast_in_dim3A_7 = vector.broadcast %broadcast_in_dim3A_6 : i32 to vector<16xi32>
    %broadcast_in_dim3A_8 = arith.constant -2147483648 : i32
    %broadcast_in_dim3A_9 = vector.broadcast %broadcast_in_dim3A_8 : i32 to vector<16xi32>
    %broadcast_in_dim3A_10 = arith.constant 64 : i32
    %broadcast_in_dim3A_11 = vector.broadcast %broadcast_in_dim3A_10 : i32 to vector<16xi32>
    %broadcast_in_dim3A_12 = arith.constant 0xFF800000 : f32
    %broadcast_in_dim3A_13 = vector.broadcast %broadcast_in_dim3A_12 : f32 to vector<16xf32>
    "tpu.region"() ({
      %run_scoped3A = tpu.sem_alloc : memref<!tpu.dma_semaphore, #tpu.memory_space<semaphore_mem>>
      %dma_start3A = arith.constant 0 : i32
      %dma_start3A_287 = tpu.memref_slice %arg2[%add3A, %dma_start3A] : memref<32x32128xf32, #tpu.memory_space<hbm>> -> memref<1x32128xf32, #tpu.memory_space<hbm>>
      %dma_start3A_288 = tpu.memref_squeeze %dma_start3A_287 : memref<1x32128xf32, #tpu.memory_space<hbm>> -> memref<32128xf32, #tpu.memory_space<hbm>>
      %dma_start3A_289 = arith.constant 0 : i32
      %dma_start3A_290 = tpu.memref_slice %arg2[%add3A, %dma_start3A_289] : memref<32x32128xf32, #tpu.memory_space<hbm>> -> memref<1x32128xf32, #tpu.memory_space<hbm>>
      %dma_start3A_291 = tpu.memref_squeeze %dma_start3A_290 : memref<1x32128xf32, #tpu.memory_space<hbm>> -> memref<32128xf32, #tpu.memory_space<hbm>>
      tpu.enqueue_dma source(%dma_start3A_291 : memref<32128xf32, #tpu.memory_space<hbm>>) target(%arg5 : memref<32128xf32, #tpu.memory_space<vmem>>) target_semaphore(%run_scoped3A : memref<!tpu.dma_semaphore, #tpu.memory_space<semaphore_mem>>)
      %dma_wait3A = arith.constant 0 : i32
      %dma_wait3A_292 = tpu.memref_slice %arg2[%add3A, %dma_wait3A] : memref<32x32128xf32, #tpu.memory_space<hbm>> -> memref<1x32128xf32, #tpu.memory_space<hbm>>
      %dma_wait3A_293 = tpu.memref_squeeze %dma_wait3A_292 : memref<1x32128xf32, #tpu.memory_space<hbm>> -> memref<32128xf32, #tpu.memory_space<hbm>>
      %dma_wait3A_294 = arith.constant 0 : i32
      %dma_wait3A_295 = tpu.memref_slice %arg2[%add3A, %dma_wait3A_294] : memref<32x32128xf32, #tpu.memory_space<hbm>> -> memref<1x32128xf32, #tpu.memory_space<hbm>>
      %dma_wait3A_296 = tpu.memref_squeeze %dma_wait3A_295 : memref<1x32128xf32, #tpu.memory_space<hbm>> -> memref<32128xf32, #tpu.memory_space<hbm>>
      tpu.wait_dma2 semaphore(%run_scoped3A : memref<!tpu.dma_semaphore, #tpu.memory_space<semaphore_mem>>) src(%dma_wait3A_296 : memref<32128xf32, #tpu.memory_space<hbm>>) dst(%arg5 : memref<32128xf32, #tpu.memory_space<vmem>>)
      tpu.yield
    }) : () -> ()
    "tpu.region"() ({
      %run_scoped3A = tpu.sem_alloc : memref<!tpu.dma_semaphore, #tpu.memory_space<semaphore_mem>>
      %dma_start3A = arith.constant 0 : i32
      %dma_start3A_287 = tpu.memref_slice %arg3[%add3A, %dma_start3A] : memref<32x32128xi32, #tpu.memory_space<hbm>> -> memref<1x32128xi32, #tpu.memory_space<hbm>>
      %dma_start3A_288 = tpu.memref_squeeze %dma_start3A_287 : memref<1x32128xi32, #tpu.memory_space<hbm>> -> memref<32128xi32, #tpu.memory_space<hbm>>
      %dma_start3A_289 = arith.constant 0 : i32
      %dma_start3A_290 = tpu.memref_slice %arg3[%add3A, %dma_start3A_289] : memref<32x32128xi32, #tpu.memory_space<hbm>> -> memref<1x32128xi32, #tpu.memory_space<hbm>>
      %dma_start3A_291 = tpu.memref_squeeze %dma_start3A_290 : memref<1x32128xi32, #tpu.memory_space<hbm>> -> memref<32128xi32, #tpu.memory_space<hbm>>
      tpu.enqueue_dma source(%dma_start3A_291 : memref<32128xi32, #tpu.memory_space<hbm>>) target(%arg6 : memref<32128xi32, #tpu.memory_space<vmem>>) target_semaphore(%run_scoped3A : memref<!tpu.dma_semaphore, #tpu.memory_space<semaphore_mem>>)
      %dma_wait3A = arith.constant 0 : i32
      %dma_wait3A_292 = tpu.memref_slice %arg3[%add3A, %dma_wait3A] : memref<32x32128xi32, #tpu.memory_space<hbm>> -> memref<1x32128xi32, #tpu.memory_space<hbm>>
      %dma_wait3A_293 = tpu.memref_squeeze %dma_wait3A_292 : memref<1x32128xi32, #tpu.memory_space<hbm>> -> memref<32128xi32, #tpu.memory_space<hbm>>
      %dma_wait3A_294 = arith.constant 0 : i32
      %dma_wait3A_295 = tpu.memref_slice %arg3[%add3A, %dma_wait3A_294] : memref<32x32128xi32, #tpu.memory_space<hbm>> -> memref<1x32128xi32, #tpu.memory_space<hbm>>
      %dma_wait3A_296 = tpu.memref_squeeze %dma_wait3A_295 : memref<1x32128xi32, #tpu.memory_space<hbm>> -> memref<32128xi32, #tpu.memory_space<hbm>>
      tpu.wait_dma2 semaphore(%run_scoped3A : memref<!tpu.dma_semaphore, #tpu.memory_space<semaphore_mem>>) src(%dma_wait3A_296 : memref<32128xi32, #tpu.memory_space<hbm>>) dst(%arg6 : memref<32128xi32, #tpu.memory_space<vmem>>)
      tpu.yield
    }) : () -> ()
    %broadcast_in_dim3A_14 = arith.constant -2147483648 : i32
    %broadcast_in_dim3A_15 = vector.broadcast %broadcast_in_dim3A_14 : i32 to vector<16xi32>
    %parallel_loop3A = arith.constant 0 : i32
    %parallel_loop3A_16 = arith.constant 2008 : i32
    %parallel_loop3A_17 = arith.constant 4 : i32
    %parallel_loop3A_18:6 = scf.for %parallel_loop3A_287 = %parallel_loop3A to %parallel_loop3A_16 step %parallel_loop3A_17 iter_args(%parallel_loop3A_288 = %broadcast_in_dim3A_13, %parallel_loop3A_289 = %broadcast_in_dim3A_13, %parallel_loop3A_290 = %broadcast_in_dim3A_15, %parallel_loop3A_291 = %broadcast_in_dim3A_15, %parallel_loop3A_292 = %broadcast_in_dim3A_15, %parallel_loop3A_293 = %broadcast_in_dim3A_15) -> (vector<16xf32>, vector<16xf32>, vector<16xi32>, vector<16xi32>, vector<16xi32>, vector<16xi32>)  : i32 {
      %parallel_loop3A_294 = arith.constant 16 : i32
      %parallel_loop3A_295 = arith.muli %parallel_loop3A_287, %parallel_loop3A_294 : i32
      %parallel_loop3A_296 = arith.index_cast %parallel_loop3A_295 : i32 to index
      %parallel_loop3A_297 = tpu.vector_load %arg5[%parallel_loop3A_296] {strides = array<i32>} : memref<32128xf32, #tpu.memory_space<vmem>>, vector<16xf32>,
      %parallel_loop3A_298 = vector.shape_cast %parallel_loop3A_297 : vector<16xf32> to vector<16xf32>
      %parallel_loop3A_299 = arith.maximumf %parallel_loop3A_288, %parallel_loop3A_298 : vector<16xf32>
      %parallel_loop3A_300 = arith.constant 32 : i32
      %parallel_loop3A_301 = arith.addi %parallel_loop3A_295, %parallel_loop3A_300 : i32
      %parallel_loop3A_302 = arith.index_cast %parallel_loop3A_301 : i32 to index
      %parallel_loop3A_303 = tpu.vector_load %arg5[%parallel_loop3A_302] {strides = array<i32>} : memref<32128xf32, #tpu.memory_space<vmem>>, vector<16xf32>,
      %parallel_loop3A_304 = vector.shape_cast %parallel_loop3A_303 : vector<16xf32> to vector<16xf32>
      %parallel_loop3A_305 = arith.maximumf %parallel_loop3A_289, %parallel_loop3A_304 : vector<16xf32>
      %parallel_loop3A_306 = arith.constant 16 : i32
      %parallel_loop3A_307 = arith.addi %parallel_loop3A_295, %parallel_loop3A_306 : i32
      %parallel_loop3A_308 = arith.index_cast %parallel_loop3A_307 : i32 to index
      %parallel_loop3A_309 = tpu.vector_load %arg5[%parallel_loop3A_308] {strides = array<i32>} : memref<32128xf32, #tpu.memory_space<vmem>>, vector<16xf32>,
      %parallel_loop3A_310 = vector.shape_cast %parallel_loop3A_309 : vector<16xf32> to vector<16xf32>
      %parallel_loop3A_311 = arith.maximumf %parallel_loop3A_299, %parallel_loop3A_310 : vector<16xf32>
      %parallel_loop3A_312 = arith.constant 48 : i32
      %parallel_loop3A_313 = arith.addi %parallel_loop3A_295, %parallel_loop3A_312 : i32
      %parallel_loop3A_314 = arith.index_cast %parallel_loop3A_313 : i32 to index
      %parallel_loop3A_315 = tpu.vector_load %arg5[%parallel_loop3A_314] {strides = array<i32>} : memref<32128xf32, #tpu.memory_space<vmem>>, vector<16xf32>,
      %parallel_loop3A_316 = vector.shape_cast %parallel_loop3A_315 : vector<16xf32> to vector<16xf32>
      %parallel_loop3A_317 = arith.maximumf %parallel_loop3A_305, %parallel_loop3A_316 : vector<16xf32>
      %parallel_loop3A_318 = arith.index_cast %parallel_loop3A_295 : i32 to index
      %parallel_loop3A_319 = tpu.vector_load %arg6[%parallel_loop3A_318] {strides = array<i32>} : memref<32128xi32, #tpu.memory_space<vmem>>, vector<16xi32>,
      %parallel_loop3A_320 = vector.shape_cast %parallel_loop3A_319 : vector<16xi32> to vector<16xi32>
      %parallel_loop3A_321 = arith.maxsi %parallel_loop3A_290, %parallel_loop3A_320 : vector<16xi32>
      %parallel_loop3A_322 = arith.constant 16 : i32
      %parallel_loop3A_323 = arith.addi %parallel_loop3A_295, %parallel_loop3A_322 : i32
      %parallel_loop3A_324 = arith.index_cast %parallel_loop3A_323 : i32 to index
      %parallel_loop3A_325 = tpu.vector_load %arg6[%parallel_loop3A_324] {strides = array<i32>} : memref<32128xi32, #tpu.memory_space<vmem>>, vector<16xi32>,
      %parallel_loop3A_326 = vector.shape_cast %parallel_loop3A_325 : vector<16xi32> to vector<16xi32>
      %parallel_loop3A_327 = arith.maxsi %parallel_loop3A_291, %parallel_loop3A_326 : vector<16xi32>
      %parallel_loop3A_328 = arith.constant 32 : i32
      %parallel_loop3A_329 = arith.addi %parallel_loop3A_295, %parallel_loop3A_328 : i32
      %parallel_loop3A_330 = arith.index_cast %parallel_loop3A_329 : i32 to index
      %parallel_loop3A_331 = tpu.vector_load %arg6[%parallel_loop3A_330] {strides = array<i32>} : memref<32128xi32, #tpu.memory_space<vmem>>, vector<16xi32>,
      %parallel_loop3A_332 = vector.shape_cast %parallel_loop3A_331 : vector<16xi32> to vector<16xi32>
      %parallel_loop3A_333 = arith.maxsi %parallel_loop3A_292, %parallel_loop3A_332 : vector<16xi32>
      %parallel_loop3A_334 = arith.constant 48 : i32
      %parallel_loop3A_335 = arith.addi %parallel_loop3A_295, %parallel_loop3A_334 : i32
      %parallel_loop3A_336 = arith.index_cast %parallel_loop3A_335 : i32 to index
      %parallel_loop3A_337 = tpu.vector_load %arg6[%parallel_loop3A_336] {strides = array<i32>} : memref<32128xi32, #tpu.memory_space<vmem>>, vector<16xi32>,
      %parallel_loop3A_338 = vector.shape_cast %parallel_loop3A_337 : vector<16xi32> to vector<16xi32>
      %parallel_loop3A_339 = arith.maxsi %parallel_loop3A_293, %parallel_loop3A_338 : vector<16xi32>
      scf.yield %parallel_loop3A_311, %parallel_loop3A_317, %parallel_loop3A_321, %parallel_loop3A_327, %parallel_loop3A_333, %parallel_loop3A_339 : vector<16xf32>, vector<16xf32>, vector<16xi32>, vector<16xi32>, vector<16xi32>, vector<16xi32>
    } {sc.loop_unroll_factor = 1 : i64, sc.parallel_access}
    %max3A = arith.maximumf %parallel_loop3A_18#0, %parallel_loop3A_18#1 : vector<16xf32>
    %swap3A = arith.constant 0 : index
    %swap3A_19 = tpu.vector_load %arg7[%swap3A] {strides = array<i32>} : memref<32xf32, #tpu.memory_space<vmem>>, vector<16xf32>,
    %swap3A_20 = vector.shape_cast %swap3A_19 : vector<16xf32> to vector<16xf32>
    %swap3A_21 = vector.shape_cast %max3A : vector<16xf32> to vector<16xf32>
    tpu.vector_store %arg7[%swap3A], %swap3A_21 {strides = array<i32>} : memref<32xf32, #tpu.memory_space<vmem>>, vector<16xf32>,
    %swap3A_22 = arith.constant 16 : index
    %swap3A_23 = tpu.vector_load %arg7[%swap3A_22] {strides = array<i32>} : memref<32xf32, #tpu.memory_space<vmem>>, vector<16xf32>,
    %swap3A_24 = vector.shape_cast %swap3A_23 : vector<16xf32> to vector<16xf32>
    %swap3A_25 = vector.shape_cast %max3A : vector<16xf32> to vector<16xf32>
    tpu.vector_store %arg7[%swap3A_22], %swap3A_25 {strides = array<i32>} : memref<32xf32, #tpu.memory_space<vmem>>, vector<16xf32>,
    %get3A = arith.constant 1 : index
    %get3A_26 = tpu.vector_load %arg7[%get3A] {strides = array<i32>} : memref<32xf32, #tpu.memory_space<vmem>>, vector<16xf32>,
    %get3A_27 = vector.shape_cast %get3A_26 : vector<16xf32> to vector<16xf32>
    %max3A_28 = arith.maximumf %max3A, %get3A_27 : vector<16xf32>
    %swap3A_29 = arith.constant 0 : index
    %swap3A_30 = tpu.vector_load %arg7[%swap3A_29] {strides = array<i32>} : memref<32xf32, #tpu.memory_space<vmem>>, vector<16xf32>,
    %swap3A_31 = vector.shape_cast %swap3A_30 : vector<16xf32> to vector<16xf32>
    %swap3A_32 = vector.shape_cast %max3A_28 : vector<16xf32> to vector<16xf32>
    tpu.vector_store %arg7[%swap3A_29], %swap3A_32 {strides = array<i32>} : memref<32xf32, #tpu.memory_space<vmem>>, vector<16xf32>,
    %swap3A_33 = arith.constant 16 : index
    %swap3A_34 = tpu.vector_load %arg7[%swap3A_33] {strides = array<i32>} : memref<32xf32, #tpu.memory_space<vmem>>, vector<16xf32>,
    %swap3A_35 = vector.shape_cast %swap3A_34 : vector<16xf32> to vector<16xf32>
    %swap3A_36 = vector.shape_cast %max3A_28 : vector<16xf32> to vector<16xf32>
    tpu.vector_store %arg7[%swap3A_33], %swap3A_36 {strides = array<i32>} : memref<32xf32, #tpu.memory_space<vmem>>, vector<16xf32>,
    %get3A_37 = arith.constant 2 : index
    %get3A_38 = tpu.vector_load %arg7[%get3A_37] {strides = array<i32>} : memref<32xf32, #tpu.memory_space<vmem>>, vector<16xf32>,
    %get3A_39 = vector.shape_cast %get3A_38 : vector<16xf32> to vector<16xf32>
    %max3A_40 = arith.maximumf %max3A_28, %get3A_39 : vector<16xf32>
    %swap3A_41 = arith.constant 0 : index
    %swap3A_42 = tpu.vector_load %arg7[%swap3A_41] {strides = array<i32>} : memref<32xf32, #tpu.memory_space<vmem>>, vector<16xf32>,
    %swap3A_43 = vector.shape_cast %swap3A_42 : vector<16xf32> to vector<16xf32>
    %swap3A_44 = vector.shape_cast %max3A_40 : vector<16xf32> to vector<16xf32>
    tpu.vector_store %arg7[%swap3A_41], %swap3A_44 {strides = array<i32>} : memref<32xf32, #tpu.memory_space<vmem>>, vector<16xf32>,
    %swap3A_45 = arith.constant 16 : index
    %swap3A_46 = tpu.vector_load %arg7[%swap3A_45] {strides = array<i32>} : memref<32xf32, #tpu.memory_space<vmem>>, vector<16xf32>,
    %swap3A_47 = vector.shape_cast %swap3A_46 : vector<16xf32> to vector<16xf32>
    %swap3A_48 = vector.shape_cast %max3A_40 : vector<16xf32> to vector<16xf32>
    tpu.vector_store %arg7[%swap3A_45], %swap3A_48 {strides = array<i32>} : memref<32xf32, #tpu.memory_space<vmem>>, vector<16xf32>,
    %get3A_49 = arith.constant 4 : index
    %get3A_50 = tpu.vector_load %arg7[%get3A_49] {strides = array<i32>} : memref<32xf32, #tpu.memory_space<vmem>>, vector<16xf32>,
    %get3A_51 = vector.shape_cast %get3A_50 : vector<16xf32> to vector<16xf32>
    %max3A_52 = arith.maximumf %max3A_40, %get3A_51 : vector<16xf32>
    %swap3A_53 = arith.constant 0 : index
    %swap3A_54 = tpu.vector_load %arg7[%swap3A_53] {strides = array<i32>} : memref<32xf32, #tpu.memory_space<vmem>>, vector<16xf32>,
    %swap3A_55 = vector.shape_cast %swap3A_54 : vector<16xf32> to vector<16xf32>
    %swap3A_56 = vector.shape_cast %max3A_52 : vector<16xf32> to vector<16xf32>
    tpu.vector_store %arg7[%swap3A_53], %swap3A_56 {strides = array<i32>} : memref<32xf32, #tpu.memory_space<vmem>>, vector<16xf32>,
    %swap3A_57 = arith.constant 16 : index
    %swap3A_58 = tpu.vector_load %arg7[%swap3A_57] {strides = array<i32>} : memref<32xf32, #tpu.memory_space<vmem>>, vector<16xf32>,
    %swap3A_59 = vector.shape_cast %swap3A_58 : vector<16xf32> to vector<16xf32>
    %swap3A_60 = vector.shape_cast %max3A_52 : vector<16xf32> to vector<16xf32>
    tpu.vector_store %arg7[%swap3A_57], %swap3A_60 {strides = array<i32>} : memref<32xf32, #tpu.memory_space<vmem>>, vector<16xf32>,
    %get3A_61 = arith.constant 8 : index
    %get3A_62 = tpu.vector_load %arg7[%get3A_61] {strides = array<i32>} : memref<32xf32, #tpu.memory_space<vmem>>, vector<16xf32>,
    %get3A_63 = vector.shape_cast %get3A_62 : vector<16xf32> to vector<16xf32>
    %max3A_64 = arith.maximumf %max3A_52, %get3A_63 : vector<16xf32>
    %min3A = arith.minsi %parallel_loop3A_18#2, %parallel_loop3A_18#3 : vector<16xi32>
    %min3A_65 = arith.minsi %parallel_loop3A_18#4, %parallel_loop3A_18#5 : vector<16xi32>
    %min3A_66 = arith.minsi %min3A, %min3A_65 : vector<16xi32>
    %max3A_67 = arith.maxsi %parallel_loop3A_18#2, %parallel_loop3A_18#3 : vector<16xi32>
    %max3A_68 = arith.maxsi %parallel_loop3A_18#4, %parallel_loop3A_18#5 : vector<16xi32>
    %max3A_69 = arith.maxsi %max3A_67, %max3A_68 : vector<16xi32>
    %swap3A_70 = arith.constant 0 : index
    %swap3A_71 = tpu.vector_load %arg8[%swap3A_70] {strides = array<i32>} : memref<32xi32, #tpu.memory_space<vmem>>, vector<16xi32>,
    %swap3A_72 = vector.shape_cast %swap3A_71 : vector<16xi32> to vector<16xi32>
    %swap3A_73 = vector.shape_cast %min3A_66 : vector<16xi32> to vector<16xi32>
    tpu.vector_store %arg8[%swap3A_70], %swap3A_73 {strides = array<i32>} : memref<32xi32, #tpu.memory_space<vmem>>, vector<16xi32>,
    %swap3A_74 = arith.constant 16 : index
    %swap3A_75 = tpu.vector_load %arg8[%swap3A_74] {strides = array<i32>} : memref<32xi32, #tpu.memory_space<vmem>>, vector<16xi32>,
    %swap3A_76 = vector.shape_cast %swap3A_75 : vector<16xi32> to vector<16xi32>
    %swap3A_77 = vector.shape_cast %min3A_66 : vector<16xi32> to vector<16xi32>
    tpu.vector_store %arg8[%swap3A_74], %swap3A_77 {strides = array<i32>} : memref<32xi32, #tpu.memory_space<vmem>>, vector<16xi32>,
    %get3A_78 = arith.constant 1 : index
    %get3A_79 = tpu.vector_load %arg8[%get3A_78] {strides = array<i32>} : memref<32xi32, #tpu.memory_space<vmem>>, vector<16xi32>,
    %get3A_80 = vector.shape_cast %get3A_79 : vector<16xi32> to vector<16xi32>
    %min3A_81 = arith.minsi %min3A_66, %get3A_80 : vector<16xi32>
    %swap3A_82 = arith.constant 0 : index
    %swap3A_83 = tpu.vector_load %arg8[%swap3A_82] {strides = array<i32>} : memref<32xi32, #tpu.memory_space<vmem>>, vector<16xi32>,
    %swap3A_84 = vector.shape_cast %swap3A_83 : vector<16xi32> to vector<16xi32>
    %swap3A_85 = vector.shape_cast %min3A_81 : vector<16xi32> to vector<16xi32>
    tpu.vector_store %arg8[%swap3A_82], %swap3A_85 {strides = array<i32>} : memref<32xi32, #tpu.memory_space<vmem>>, vector<16xi32>,
    %swap3A_86 = arith.constant 16 : index
    %swap3A_87 = tpu.vector_load %arg8[%swap3A_86] {strides = array<i32>} : memref<32xi32, #tpu.memory_space<vmem>>, vector<16xi32>,
    %swap3A_88 = vector.shape_cast %swap3A_87 : vector<16xi32> to vector<16xi32>
    %swap3A_89 = vector.shape_cast %min3A_81 : vector<16xi32> to vector<16xi32>
    tpu.vector_store %arg8[%swap3A_86], %swap3A_89 {strides = array<i32>} : memref<32xi32, #tpu.memory_space<vmem>>, vector<16xi32>,
    %get3A_90 = arith.constant 2 : index
    %get3A_91 = tpu.vector_load %arg8[%get3A_90] {strides = array<i32>} : memref<32xi32, #tpu.memory_space<vmem>>, vector<16xi32>,
    %get3A_92 = vector.shape_cast %get3A_91 : vector<16xi32> to vector<16xi32>
    %min3A_93 = arith.minsi %min3A_81, %get3A_92 : vector<16xi32>
    %swap3A_94 = arith.constant 0 : index
    %swap3A_95 = tpu.vector_load %arg8[%swap3A_94] {strides = array<i32>} : memref<32xi32, #tpu.memory_space<vmem>>, vector<16xi32>,
    %swap3A_96 = vector.shape_cast %swap3A_95 : vector<16xi32> to vector<16xi32>
    %swap3A_97 = vector.shape_cast %min3A_93 : vector<16xi32> to vector<16xi32>
    tpu.vector_store %arg8[%swap3A_94], %swap3A_97 {strides = array<i32>} : memref<32xi32, #tpu.memory_space<vmem>>, vector<16xi32>,
    %swap3A_98 = arith.constant 16 : index
    %swap3A_99 = tpu.vector_load %arg8[%swap3A_98] {strides = array<i32>} : memref<32xi32, #tpu.memory_space<vmem>>, vector<16xi32>,
    %swap3A_100 = vector.shape_cast %swap3A_99 : vector<16xi32> to vector<16xi32>
    %swap3A_101 = vector.shape_cast %min3A_93 : vector<16xi32> to vector<16xi32>
    tpu.vector_store %arg8[%swap3A_98], %swap3A_101 {strides = array<i32>} : memref<32xi32, #tpu.memory_space<vmem>>, vector<16xi32>,
    %get3A_102 = arith.constant 4 : index
    %get3A_103 = tpu.vector_load %arg8[%get3A_102] {strides = array<i32>} : memref<32xi32, #tpu.memory_space<vmem>>, vector<16xi32>,
    %get3A_104 = vector.shape_cast %get3A_103 : vector<16xi32> to vector<16xi32>
    %min3A_105 = arith.minsi %min3A_93, %get3A_104 : vector<16xi32>
    %swap3A_106 = arith.constant 0 : index
    %swap3A_107 = tpu.vector_load %arg8[%swap3A_106] {strides = array<i32>} : memref<32xi32, #tpu.memory_space<vmem>>, vector<16xi32>,
    %swap3A_108 = vector.shape_cast %swap3A_107 : vector<16xi32> to vector<16xi32>
    %swap3A_109 = vector.shape_cast %min3A_105 : vector<16xi32> to vector<16xi32>
    tpu.vector_store %arg8[%swap3A_106], %swap3A_109 {strides = array<i32>} : memref<32xi32, #tpu.memory_space<vmem>>, vector<16xi32>,
    %swap3A_110 = arith.constant 16 : index
    %swap3A_111 = tpu.vector_load %arg8[%swap3A_110] {strides = array<i32>} : memref<32xi32, #tpu.memory_space<vmem>>, vector<16xi32>,
    %swap3A_112 = vector.shape_cast %swap3A_111 : vector<16xi32> to vector<16xi32>
    %swap3A_113 = vector.shape_cast %min3A_105 : vector<16xi32> to vector<16xi32>
    tpu.vector_store %arg8[%swap3A_110], %swap3A_113 {strides = array<i32>} : memref<32xi32, #tpu.memory_space<vmem>>, vector<16xi32>,
    %get3A_114 = arith.constant 8 : index
    %get3A_115 = tpu.vector_load %arg8[%get3A_114] {strides = array<i32>} : memref<32xi32, #tpu.memory_space<vmem>>, vector<16xi32>,
    %get3A_116 = vector.shape_cast %get3A_115 : vector<16xi32> to vector<16xi32>
    %min3A_117 = arith.minsi %min3A_105, %get3A_116 : vector<16xi32>
    %swap3A_118 = arith.constant 0 : index
    %swap3A_119 = tpu.vector_load %arg8[%swap3A_118] {strides = array<i32>} : memref<32xi32, #tpu.memory_space<vmem>>, vector<16xi32>,
    %swap3A_120 = vector.shape_cast %swap3A_119 : vector<16xi32> to vector<16xi32>
    %swap3A_121 = vector.shape_cast %max3A_69 : vector<16xi32> to vector<16xi32>
    tpu.vector_store %arg8[%swap3A_118], %swap3A_121 {strides = array<i32>} : memref<32xi32, #tpu.memory_space<vmem>>, vector<16xi32>,
    %swap3A_122 = arith.constant 16 : index
    %swap3A_123 = tpu.vector_load %arg8[%swap3A_122] {strides = array<i32>} : memref<32xi32, #tpu.memory_space<vmem>>, vector<16xi32>,
    %swap3A_124 = vector.shape_cast %swap3A_123 : vector<16xi32> to vector<16xi32>
    %swap3A_125 = vector.shape_cast %max3A_69 : vector<16xi32> to vector<16xi32>
    tpu.vector_store %arg8[%swap3A_122], %swap3A_125 {strides = array<i32>} : memref<32xi32, #tpu.memory_space<vmem>>, vector<16xi32>,
    %get3A_126 = arith.constant 1 : index
    %get3A_127 = tpu.vector_load %arg8[%get3A_126] {strides = array<i32>} : memref<32xi32, #tpu.memory_space<vmem>>, vector<16xi32>,
    %get3A_128 = vector.shape_cast %get3A_127 : vector<16xi32> to vector<16xi32>
    %max3A_129 = arith.maxsi %max3A_69, %get3A_128 : vector<16xi32>
    %swap3A_130 = arith.constant 0 : index
    %swap3A_131 = tpu.vector_load %arg8[%swap3A_130] {strides = array<i32>} : memref<32xi32, #tpu.memory_space<vmem>>, vector<16xi32>,
    %swap3A_132 = vector.shape_cast %swap3A_131 : vector<16xi32> to vector<16xi32>
    %swap3A_133 = vector.shape_cast %max3A_129 : vector<16xi32> to vector<16xi32>
    tpu.vector_store %arg8[%swap3A_130], %swap3A_133 {strides = array<i32>} : memref<32xi32, #tpu.memory_space<vmem>>, vector<16xi32>,
    %swap3A_134 = arith.constant 16 : index
    %swap3A_135 = tpu.vector_load %arg8[%swap3A_134] {strides = array<i32>} : memref<32xi32, #tpu.memory_space<vmem>>, vector<16xi32>,
    %swap3A_136 = vector.shape_cast %swap3A_135 : vector<16xi32> to vector<16xi32>
    %swap3A_137 = vector.shape_cast %max3A_129 : vector<16xi32> to vector<16xi32>
    tpu.vector_store %arg8[%swap3A_134], %swap3A_137 {strides = array<i32>} : memref<32xi32, #tpu.memory_space<vmem>>, vector<16xi32>,
    %get3A_138 = arith.constant 2 : index
    %get3A_139 = tpu.vector_load %arg8[%get3A_138] {strides = array<i32>} : memref<32xi32, #tpu.memory_space<vmem>>, vector<16xi32>,
    %get3A_140 = vector.shape_cast %get3A_139 : vector<16xi32> to vector<16xi32>
    %max3A_141 = arith.maxsi %max3A_129, %get3A_140 : vector<16xi32>
    %swap3A_142 = arith.constant 0 : index
    %swap3A_143 = tpu.vector_load %arg8[%swap3A_142] {strides = array<i32>} : memref<32xi32, #tpu.memory_space<vmem>>, vector<16xi32>,
    %swap3A_144 = vector.shape_cast %swap3A_143 : vector<16xi32> to vector<16xi32>
    %swap3A_145 = vector.shape_cast %max3A_141 : vector<16xi32> to vector<16xi32>
    tpu.vector_store %arg8[%swap3A_142], %swap3A_145 {strides = array<i32>} : memref<32xi32, #tpu.memory_space<vmem>>, vector<16xi32>,
    %swap3A_146 = arith.constant 16 : index
    %swap3A_147 = tpu.vector_load %arg8[%swap3A_146] {strides = array<i32>} : memref<32xi32, #tpu.memory_space<vmem>>, vector<16xi32>,
    %swap3A_148 = vector.shape_cast %swap3A_147 : vector<16xi32> to vector<16xi32>
    %swap3A_149 = vector.shape_cast %max3A_141 : vector<16xi32> to vector<16xi32>
    tpu.vector_store %arg8[%swap3A_146], %swap3A_149 {strides = array<i32>} : memref<32xi32, #tpu.memory_space<vmem>>, vector<16xi32>,
    %get3A_150 = arith.constant 4 : index
    %get3A_151 = tpu.vector_load %arg8[%get3A_150] {strides = array<i32>} : memref<32xi32, #tpu.memory_space<vmem>>, vector<16xi32>,
    %get3A_152 = vector.shape_cast %get3A_151 : vector<16xi32> to vector<16xi32>
    %max3A_153 = arith.maxsi %max3A_141, %get3A_152 : vector<16xi32>
    %swap3A_154 = arith.constant 0 : index
    %swap3A_155 = tpu.vector_load %arg8[%swap3A_154] {strides = array<i32>} : memref<32xi32, #tpu.memory_space<vmem>>, vector<16xi32>,
    %swap3A_156 = vector.shape_cast %swap3A_155 : vector<16xi32> to vector<16xi32>
    %swap3A_157 = vector.shape_cast %max3A_153 : vector<16xi32> to vector<16xi32>
    tpu.vector_store %arg8[%swap3A_154], %swap3A_157 {strides = array<i32>} : memref<32xi32, #tpu.memory_space<vmem>>, vector<16xi32>,
    %swap3A_158 = arith.constant 16 : index
    %swap3A_159 = tpu.vector_load %arg8[%swap3A_158] {strides = array<i32>} : memref<32xi32, #tpu.memory_space<vmem>>, vector<16xi32>,
    %swap3A_160 = vector.shape_cast %swap3A_159 : vector<16xi32> to vector<16xi32>
    %swap3A_161 = vector.shape_cast %max3A_153 : vector<16xi32> to vector<16xi32>
    tpu.vector_store %arg8[%swap3A_158], %swap3A_161 {strides = array<i32>} : memref<32xi32, #tpu.memory_space<vmem>>, vector<16xi32>,
    %get3A_162 = arith.constant 8 : index
    %get3A_163 = tpu.vector_load %arg8[%get3A_162] {strides = array<i32>} : memref<32xi32, #tpu.memory_space<vmem>>, vector<16xi32>,
    %get3A_164 = vector.shape_cast %get3A_163 : vector<16xi32> to vector<16xi32>
    %max3A_165 = arith.maxsi %max3A_153, %get3A_164 : vector<16xi32>
    %xor3A = arith.xori %min3A_117, %broadcast_in_dim3A_9 : vector<16xi32>
    %xor3A_166 = arith.xori %max3A_165, %broadcast_in_dim3A_9 : vector<16xi32>
    %xor3A_167 = arith.xori %xor3A, %xor3A_166 : vector<16xi32>
    %broadcast_in_dim3A_168 = arith.constant 1 : i32
    %broadcast_in_dim3A_169 = vector.broadcast %broadcast_in_dim3A_168 : i32 to vector<16xi32>
    %shift_right_logical3A = arith.shrui %xor3A_167, %broadcast_in_dim3A_169 : vector<16xi32>
    %or3A = arith.ori %xor3A_167, %shift_right_logical3A : vector<16xi32>
    %broadcast_in_dim3A_170 = arith.constant 2 : i32
    %broadcast_in_dim3A_171 = vector.broadcast %broadcast_in_dim3A_170 : i32 to vector<16xi32>
    %shift_right_logical3A_172 = arith.shrui %or3A, %broadcast_in_dim3A_171 : vector<16xi32>
    %or3A_173 = arith.ori %or3A, %shift_right_logical3A_172 : vector<16xi32>
    %broadcast_in_dim3A_174 = arith.constant 4 : i32
    %broadcast_in_dim3A_175 = vector.broadcast %broadcast_in_dim3A_174 : i32 to vector<16xi32>
    %shift_right_logical3A_176 = arith.shrui %or3A_173, %broadcast_in_dim3A_175 : vector<16xi32>
    %or3A_177 = arith.ori %or3A_173, %shift_right_logical3A_176 : vector<16xi32>
    %broadcast_in_dim3A_178 = arith.constant 8 : i32
    %broadcast_in_dim3A_179 = vector.broadcast %broadcast_in_dim3A_178 : i32 to vector<16xi32>
    %shift_right_logical3A_180 = arith.shrui %or3A_177, %broadcast_in_dim3A_179 : vector<16xi32>
    %or3A_181 = arith.ori %or3A_177, %shift_right_logical3A_180 : vector<16xi32>
    %broadcast_in_dim3A_182 = arith.constant 16 : i32
    %broadcast_in_dim3A_183 = vector.broadcast %broadcast_in_dim3A_182 : i32 to vector<16xi32>
    %shift_right_logical3A_184 = arith.shrui %or3A_181, %broadcast_in_dim3A_183 : vector<16xi32>
    %or3A_185 = arith.ori %or3A_181, %shift_right_logical3A_184 : vector<16xi32>
    %not3A = arith.constant dense<-1> : vector<16xi32>
    %not3A_186 = arith.xori %or3A_185, %not3A : vector<16xi32>
    %and3A = arith.andi %xor3A_166, %not3A_186 : vector<16xi32>
    %broadcast_in_dim3A_187 = arith.constant 1 : i32
    %broadcast_in_dim3A_188 = vector.broadcast %broadcast_in_dim3A_187 : i32 to vector<16xi32>
    %shift_right_logical3A_189 = arith.shrui %or3A_185, %broadcast_in_dim3A_188 : vector<16xi32>
    %add3A_190 = arith.addi %shift_right_logical3A_189, %broadcast_in_dim3A_7 : vector<16xi32>
    %broadcast_in_dim3A_191 = arith.constant 1 : i32
    %broadcast_in_dim3A_192 = vector.broadcast %broadcast_in_dim3A_191 : i32 to vector<16xi32>
    %shift_right_logical3A_193 = arith.shrui %or3A_185, %broadcast_in_dim3A_192 : vector<16xi32>
    %broadcast_in_dim3A_194 = arith.constant 1431655765 : i32
    %broadcast_in_dim3A_195 = vector.broadcast %broadcast_in_dim3A_194 : i32 to vector<16xi32>
    %and3A_196 = arith.andi %shift_right_logical3A_193, %broadcast_in_dim3A_195 : vector<16xi32>
    %sub3A = arith.subi %or3A_185, %and3A_196 : vector<16xi32>
    %broadcast_in_dim3A_197 = arith.constant 858993459 : i32
    %broadcast_in_dim3A_198 = vector.broadcast %broadcast_in_dim3A_197 : i32 to vector<16xi32>
    %and3A_199 = arith.andi %sub3A, %broadcast_in_dim3A_198 : vector<16xi32>
    %broadcast_in_dim3A_200 = arith.constant 2 : i32
    %broadcast_in_dim3A_201 = vector.broadcast %broadcast_in_dim3A_200 : i32 to vector<16xi32>
    %shift_right_logical3A_202 = arith.shrui %sub3A, %broadcast_in_dim3A_201 : vector<16xi32>
    %broadcast_in_dim3A_203 = arith.constant 858993459 : i32
    %broadcast_in_dim3A_204 = vector.broadcast %broadcast_in_dim3A_203 : i32 to vector<16xi32>
    %and3A_205 = arith.andi %shift_right_logical3A_202, %broadcast_in_dim3A_204 : vector<16xi32>
    %add3A_206 = arith.addi %and3A_199, %and3A_205 : vector<16xi32>
    %broadcast_in_dim3A_207 = arith.constant 4 : i32
    %broadcast_in_dim3A_208 = vector.broadcast %broadcast_in_dim3A_207 : i32 to vector<16xi32>
    %shift_right_logical3A_209 = arith.shrui %add3A_206, %broadcast_in_dim3A_208 : vector<16xi32>
    %add3A_210 = arith.addi %add3A_206, %shift_right_logical3A_209 : vector<16xi32>
    %broadcast_in_dim3A_211 = arith.constant 252645135 : i32
    %broadcast_in_dim3A_212 = vector.broadcast %broadcast_in_dim3A_211 : i32 to vector<16xi32>
    %and3A_213 = arith.andi %add3A_210, %broadcast_in_dim3A_212 : vector<16xi32>
    %broadcast_in_dim3A_214 = arith.constant 16843009 : i32
    %broadcast_in_dim3A_215 = vector.broadcast %broadcast_in_dim3A_214 : i32 to vector<16xi32>
    %mul3A_216 = arith.muli %and3A_213, %broadcast_in_dim3A_215 : vector<16xi32>
    %broadcast_in_dim3A_217 = arith.constant 24 : i32
    %broadcast_in_dim3A_218 = vector.broadcast %broadcast_in_dim3A_217 : i32 to vector<16xi32>
    %shift_right_logical3A_219 = arith.shrui %mul3A_216, %broadcast_in_dim3A_218 : vector<16xi32>
    %slice3A = vector.extract_strided_slice %shift_right_logical3A_219 {offsets = [0], sizes = [1], strides = [1]} : vector<16xi32> to vector<1xi32>
    %squeeze3A = vector.extract %slice3A[0] : i32 from vector<1xi32>
    %while3A = arith.constant 0 : i32
    %while3A_220 = arith.subi %squeeze3A, %while3A : i32
    %while3A_221 = arith.addi %while3A, %while3A_220 : i32
    %while3A_222 = arith.constant 1 : i32
    %while3A_223 = arith.divsi %while3A_220, %while3A_222 : i32
    %while3A_224 = arith.muli %while3A_223, %while3A_222 : i32
    %while3A_225 = arith.addi %while3A, %while3A_224 : i32
    %while3A_226 = arith.constant 1 : i32
    %while3A_227:2 = scf.for %while3A_287 = %while3A to %while3A_225 step %while3A_226 iter_args(%while3A_288 = %and3A, %while3A_289 = %add3A_190) -> (vector<16xi32>, vector<16xi32>)  : i32 {
      %or3A_290 = arith.ori %while3A_288, %while3A_289 : vector<16xi32>
      %xor3A_291 = arith.xori %or3A_290, %broadcast_in_dim3A_9 : vector<16xi32>
      %parallel_loop3A_292 = arith.constant 0 : i32
      %parallel_loop3A_293 = arith.constant 2008 : i32
      %parallel_loop3A_294 = arith.constant 8 : i32
      %parallel_loop3A_295:4 = scf.for %parallel_loop3A_350 = %parallel_loop3A_292 to %parallel_loop3A_293 step %parallel_loop3A_294 iter_args(%parallel_loop3A_351 = %broadcast_in_dim3A_1, %parallel_loop3A_352 = %broadcast_in_dim3A_1, %parallel_loop3A_353 = %broadcast_in_dim3A_1, %parallel_loop3A_354 = %broadcast_in_dim3A_1) -> (vector<16xi32>, vector<16xi32>, vector<16xi32>, vector<16xi32>)  : i32 {
        %parallel_loop3A_355 = arith.constant 16 : i32
        %parallel_loop3A_356 = arith.muli %parallel_loop3A_350, %parallel_loop3A_355 : i32
        %parallel_loop3A_357 = arith.index_cast %parallel_loop3A_356 : i32 to index
        %parallel_loop3A_358 = tpu.vector_load %arg6[%parallel_loop3A_357] {strides = array<i32>} : memref<32128xi32, #tpu.memory_space<vmem>>, vector<16xi32>,
        %parallel_loop3A_359 = vector.shape_cast %parallel_loop3A_358 : vector<16xi32> to vector<16xi32>
        %parallel_loop3A_360 = arith.cmpi sge, %parallel_loop3A_359, %xor3A_291 : vector<16xi32>
        %parallel_loop3A_361 = arith.select %parallel_loop3A_360, %broadcast_in_dim3A_7, %broadcast_in_dim3A_1 : vector<16xi1>, vector<16xi32>
        %parallel_loop3A_362 = arith.addi %parallel_loop3A_351, %parallel_loop3A_361 : vector<16xi32>
        %parallel_loop3A_363 = arith.constant 16 : i32
        %parallel_loop3A_364 = arith.addi %parallel_loop3A_356, %parallel_loop3A_363 : i32
        %parallel_loop3A_365 = arith.index_cast %parallel_loop3A_364 : i32 to index
        %parallel_loop3A_366 = tpu.vector_load %arg6[%parallel_loop3A_365] {strides = array<i32>} : memref<32128xi32, #tpu.memory_space<vmem>>, vector<16xi32>,
        %parallel_loop3A_367 = vector.shape_cast %parallel_loop3A_366 : vector<16xi32> to vector<16xi32>
        %parallel_loop3A_368 = arith.cmpi sge, %parallel_loop3A_367, %xor3A_291 : vector<16xi32>
        %parallel_loop3A_369 = arith.select %parallel_loop3A_368, %broadcast_in_dim3A_7, %broadcast_in_dim3A_1 : vector<16xi1>, vector<16xi32>
        %parallel_loop3A_370 = arith.addi %parallel_loop3A_352, %parallel_loop3A_369 : vector<16xi32>
        %parallel_loop3A_371 = arith.constant 32 : i32
        %parallel_loop3A_372 = arith.addi %parallel_loop3A_356, %parallel_loop3A_371 : i32
        %parallel_loop3A_373 = arith.index_cast %parallel_loop3A_372 : i32 to index
        %parallel_loop3A_374 = tpu.vector_load %arg6[%parallel_loop3A_373] {strides = array<i32>} : memref<32128xi32, #tpu.memory_space<vmem>>, vector<16xi32>,
        %parallel_loop3A_375 = vector.shape_cast %parallel_loop3A_374 : vector<16xi32> to vector<16xi32>
        %parallel_loop3A_376 = arith.cmpi sge, %parallel_loop3A_375, %xor3A_291 : vector<16xi32>
        %parallel_loop3A_377 = arith.select %parallel_loop3A_376, %broadcast_in_dim3A_7, %broadcast_in_dim3A_1 : vector<16xi1>, vector<16xi32>
        %parallel_loop3A_378 = arith.addi %parallel_loop3A_353, %parallel_loop3A_377 : vector<16xi32>
        %parallel_loop3A_379 = arith.constant 48 : i32
        %parallel_loop3A_380 = arith.addi %parallel_loop3A_356, %parallel_loop3A_379 : i32
        %parallel_loop3A_381 = arith.index_cast %parallel_loop3A_380 : i32 to index
        %parallel_loop3A_382 = tpu.vector_load %arg6[%parallel_loop3A_381] {strides = array<i32>} : memref<32128xi32, #tpu.memory_space<vmem>>, vector<16xi32>,
        %parallel_loop3A_383 = vector.shape_cast %parallel_loop3A_382 : vector<16xi32> to vector<16xi32>
        %parallel_loop3A_384 = arith.cmpi sge, %parallel_loop3A_383, %xor3A_291 : vector<16xi32>
        %parallel_loop3A_385 = arith.select %parallel_loop3A_384, %broadcast_in_dim3A_7, %broadcast_in_dim3A_1 : vector<16xi1>, vector<16xi32>
        %parallel_loop3A_386 = arith.addi %parallel_loop3A_354, %parallel_loop3A_385 : vector<16xi32>
        %parallel_loop3A_387 = arith.constant 64 : i32
        %parallel_loop3A_388 = arith.addi %parallel_loop3A_356, %parallel_loop3A_387 : i32
        %parallel_loop3A_389 = arith.index_cast %parallel_loop3A_388 : i32 to index
        %parallel_loop3A_390 = tpu.vector_load %arg6[%parallel_loop3A_389] {strides = array<i32>} : memref<32128xi32, #tpu.memory_space<vmem>>, vector<16xi32>,
        %parallel_loop3A_391 = vector.shape_cast %parallel_loop3A_390 : vector<16xi32> to vector<16xi32>
        %parallel_loop3A_392 = arith.cmpi sge, %parallel_loop3A_391, %xor3A_291 : vector<16xi32>
        %parallel_loop3A_393 = arith.select %parallel_loop3A_392, %broadcast_in_dim3A_7, %broadcast_in_dim3A_1 : vector<16xi1>, vector<16xi32>
        %parallel_loop3A_394 = arith.addi %parallel_loop3A_362, %parallel_loop3A_393 : vector<16xi32>
        %parallel_loop3A_395 = arith.constant 80 : i32
        %parallel_loop3A_396 = arith.addi %parallel_loop3A_356, %parallel_loop3A_395 : i32
        %parallel_loop3A_397 = arith.index_cast %parallel_loop3A_396 : i32 to index
        %parallel_loop3A_398 = tpu.vector_load %arg6[%parallel_loop3A_397] {strides = array<i32>} : memref<32128xi32, #tpu.memory_space<vmem>>, vector<16xi32>,
        %parallel_loop3A_399 = vector.shape_cast %parallel_loop3A_398 : vector<16xi32> to vector<16xi32>
        %parallel_loop3A_400 = arith.cmpi sge, %parallel_loop3A_399, %xor3A_291 : vector<16xi32>
        %parallel_loop3A_401 = arith.select %parallel_loop3A_400, %broadcast_in_dim3A_7, %broadcast_in_dim3A_1 : vector<16xi1>, vector<16xi32>
        %parallel_loop3A_402 = arith.addi %parallel_loop3A_370, %parallel_loop3A_401 : vector<16xi32>
        %parallel_loop3A_403 = arith.constant 96 : i32
        %parallel_loop3A_404 = arith.addi %parallel_loop3A_356, %parallel_loop3A_403 : i32
        %parallel_loop3A_405 = arith.index_cast %parallel_loop3A_404 : i32 to index
        %parallel_loop3A_406 = tpu.vector_load %arg6[%parallel_loop3A_405] {strides = array<i32>} : memref<32128xi32, #tpu.memory_space<vmem>>, vector<16xi32>,
        %parallel_loop3A_407 = vector.shape_cast %parallel_loop3A_406 : vector<16xi32> to vector<16xi32>
        %parallel_loop3A_408 = arith.cmpi sge, %parallel_loop3A_407, %xor3A_291 : vector<16xi32>
        %parallel_loop3A_409 = arith.select %parallel_loop3A_408, %broadcast_in_dim3A_7, %broadcast_in_dim3A_1 : vector<16xi1>, vector<16xi32>
        %parallel_loop3A_410 = arith.addi %parallel_loop3A_378, %parallel_loop3A_409 : vector<16xi32>
        %parallel_loop3A_411 = arith.constant 112 : i32
        %parallel_loop3A_412 = arith.addi %parallel_loop3A_356, %parallel_loop3A_411 : i32
        %parallel_loop3A_413 = arith.index_cast %parallel_loop3A_412 : i32 to index
        %parallel_loop3A_414 = tpu.vector_load %arg6[%parallel_loop3A_413] {strides = array<i32>} : memref<32128xi32, #tpu.memory_space<vmem>>, vector<16xi32>,
        %parallel_loop3A_415 = vector.shape_cast %parallel_loop3A_414 : vector<16xi32> to vector<16xi32>
        %parallel_loop3A_416 = arith.cmpi sge, %parallel_loop3A_415, %xor3A_291 : vector<16xi32>
        %parallel_loop3A_417 = arith.select %parallel_loop3A_416, %broadcast_in_dim3A_7, %broadcast_in_dim3A_1 : vector<16xi1>, vector<16xi32>
        %parallel_loop3A_418 = arith.addi %parallel_loop3A_386, %parallel_loop3A_417 : vector<16xi32>
        scf.yield %parallel_loop3A_394, %parallel_loop3A_402, %parallel_loop3A_410, %parallel_loop3A_418 : vector<16xi32>, vector<16xi32>, vector<16xi32>, vector<16xi32>
      } {sc.loop_unroll_factor = 1 : i64, sc.parallel_access}
      %add3A_296 = arith.addi %parallel_loop3A_295#0, %parallel_loop3A_295#1 : vector<16xi32>
      %add3A_297 = arith.addi %parallel_loop3A_295#2, %parallel_loop3A_295#3 : vector<16xi32>
      %add3A_298 = arith.addi %add3A_296, %add3A_297 : vector<16xi32>
      %swap3A_299 = arith.constant 0 : index
      %swap3A_300 = tpu.vector_load %arg8[%swap3A_299] {strides = array<i32>} : memref<32xi32, #tpu.memory_space<vmem>>, vector<16xi32>,
      %swap3A_301 = vector.shape_cast %swap3A_300 : vector<16xi32> to vector<16xi32>
      %swap3A_302 = vector.shape_cast %add3A_298 : vector<16xi32> to vector<16xi32>
      tpu.vector_store %arg8[%swap3A_299], %swap3A_302 {strides = array<i32>} : memref<32xi32, #tpu.memory_space<vmem>>, vector<16xi32>,
      %swap3A_303 = arith.constant 16 : index
      %swap3A_304 = tpu.vector_load %arg8[%swap3A_303] {strides = array<i32>} : memref<32xi32, #tpu.memory_space<vmem>>, vector<16xi32>,
      %swap3A_305 = vector.shape_cast %swap3A_304 : vector<16xi32> to vector<16xi32>
      %swap3A_306 = vector.shape_cast %add3A_298 : vector<16xi32> to vector<16xi32>
      tpu.vector_store %arg8[%swap3A_303], %swap3A_306 {strides = array<i32>} : memref<32xi32, #tpu.memory_space<vmem>>, vector<16xi32>,
      %get3A_307 = arith.constant 1 : index
      %get3A_308 = tpu.vector_load %arg8[%get3A_307] {strides = array<i32>} : memref<32xi32, #tpu.memory_space<vmem>>, vector<16xi32>,
      %get3A_309 = vector.shape_cast %get3A_308 : vector<16xi32> to vector<16xi32>
      %add3A_310 = arith.addi %add3A_298, %get3A_309 : vector<16xi32>
      %swap3A_311 = arith.constant 0 : index
      %swap3A_312 = tpu.vector_load %arg8[%swap3A_311] {strides = array<i32>} : memref<32xi32, #tpu.memory_space<vmem>>, vector<16xi32>,
      %swap3A_313 = vector.shape_cast %swap3A_312 : vector<16xi32> to vector<16xi32>
      %swap3A_314 = vector.shape_cast %add3A_310 : vector<16xi32> to vector<16xi32>
      tpu.vector_store %arg8[%swap3A_311], %swap3A_314 {strides = array<i32>} : memref<32xi32, #tpu.memory_space<vmem>>, vector<16xi32>,
      %swap3A_315 = arith.constant 16 : index
      %swap3A_316 = tpu.vector_load %arg8[%swap3A_315] {strides = array<i32>} : memref<32xi32, #tpu.memory_space<vmem>>, vector<16xi32>,
      %swap3A_317 = vector.shape_cast %swap3A_316 : vector<16xi32> to vector<16xi32>
      %swap3A_318 = vector.shape_cast %add3A_310 : vector<16xi32> to vector<16xi32>
      tpu.vector_store %arg8[%swap3A_315], %swap3A_318 {strides = array<i32>} : memref<32xi32, #tpu.memory_space<vmem>>, vector<16xi32>,
      %get3A_319 = arith.constant 2 : index
      %get3A_320 = tpu.vector_load %arg8[%get3A_319] {strides = array<i32>} : memref<32xi32, #tpu.memory_space<vmem>>, vector<16xi32>,
      %get3A_321 = vector.shape_cast %get3A_320 : vector<16xi32> to vector<16xi32>
      %add3A_322 = arith.addi %add3A_310, %get3A_321 : vector<16xi32>
      %swap3A_323 = arith.constant 0 : index
      %swap3A_324 = tpu.vector_load %arg8[%swap3A_323] {strides = array<i32>} : memref<32xi32, #tpu.memory_space<vmem>>, vector<16xi32>,
      %swap3A_325 = vector.shape_cast %swap3A_324 : vector<16xi32> to vector<16xi32>
      %swap3A_326 = vector.shape_cast %add3A_322 : vector<16xi32> to vector<16xi32>
      tpu.vector_store %arg8[%swap3A_323], %swap3A_326 {strides = array<i32>} : memref<32xi32, #tpu.memory_space<vmem>>, vector<16xi32>,
      %swap3A_327 = arith.constant 16 : index
      %swap3A_328 = tpu.vector_load %arg8[%swap3A_327] {strides = array<i32>} : memref<32xi32, #tpu.memory_space<vmem>>, vector<16xi32>,
      %swap3A_329 = vector.shape_cast %swap3A_328 : vector<16xi32> to vector<16xi32>
      %swap3A_330 = vector.shape_cast %add3A_322 : vector<16xi32> to vector<16xi32>
      tpu.vector_store %arg8[%swap3A_327], %swap3A_330 {strides = array<i32>} : memref<32xi32, #tpu.memory_space<vmem>>, vector<16xi32>,
      %get3A_331 = arith.constant 4 : index
      %get3A_332 = tpu.vector_load %arg8[%get3A_331] {strides = array<i32>} : memref<32xi32, #tpu.memory_space<vmem>>, vector<16xi32>,
      %get3A_333 = vector.shape_cast %get3A_332 : vector<16xi32> to vector<16xi32>
      %add3A_334 = arith.addi %add3A_322, %get3A_333 : vector<16xi32>
      %swap3A_335 = arith.constant 0 : index
      %swap3A_336 = tpu.vector_load %arg8[%swap3A_335] {strides = array<i32>} : memref<32xi32, #tpu.memory_space<vmem>>, vector<16xi32>,
      %swap3A_337 = vector.shape_cast %swap3A_336 : vector<16xi32> to vector<16xi32>
      %swap3A_338 = vector.shape_cast %add3A_334 : vector<16xi32> to vector<16xi32>
      tpu.vector_store %arg8[%swap3A_335], %swap3A_338 {strides = array<i32>} : memref<32xi32, #tpu.memory_space<vmem>>, vector<16xi32>,
      %swap3A_339 = arith.constant 16 : index
      %swap3A_340 = tpu.vector_load %arg8[%swap3A_339] {strides = array<i32>} : memref<32xi32, #tpu.memory_space<vmem>>, vector<16xi32>,
      %swap3A_341 = vector.shape_cast %swap3A_340 : vector<16xi32> to vector<16xi32>
      %swap3A_342 = vector.shape_cast %add3A_334 : vector<16xi32> to vector<16xi32>
      tpu.vector_store %arg8[%swap3A_339], %swap3A_342 {strides = array<i32>} : memref<32xi32, #tpu.memory_space<vmem>>, vector<16xi32>,
      %get3A_343 = arith.constant 8 : index
      %get3A_344 = tpu.vector_load %arg8[%get3A_343] {strides = array<i32>} : memref<32xi32, #tpu.memory_space<vmem>>, vector<16xi32>,
      %get3A_345 = vector.shape_cast %get3A_344 : vector<16xi32> to vector<16xi32>
      %add3A_346 = arith.addi %add3A_334, %get3A_345 : vector<16xi32>
      %ge3A = arith.cmpi sge, %add3A_346, %broadcast_in_dim3A_11 : vector<16xi32>
      %select_n3A = arith.select %ge3A, %or3A_290, %while3A_288 : vector<16xi1>, vector<16xi32>
      %broadcast_in_dim3A_347 = arith.constant 1 : i32
      %broadcast_in_dim3A_348 = vector.broadcast %broadcast_in_dim3A_347 : i32 to vector<16xi32>
      %shift_right_logical3A_349 = arith.shrui %while3A_289, %broadcast_in_dim3A_348 : vector<16xi32>
      scf.yield %select_n3A, %shift_right_logical3A_349 : vector<16xi32>, vector<16xi32>
    }
    %while3A_228 = arith.constant 1 : i32
    %while3A_229:2 = scf.for %while3A_287 = %while3A_225 to %while3A_221 step %while3A_228 iter_args(%while3A_288 = %while3A_227#0, %while3A_289 = %while3A_227#1) -> (vector<16xi32>, vector<16xi32>)  : i32 {
      %or3A_290 = arith.ori %while3A_288, %while3A_289 : vector<16xi32>
      %xor3A_291 = arith.xori %or3A_290, %broadcast_in_dim3A_9 : vector<16xi32>
      %parallel_loop3A_292 = arith.constant 0 : i32
      %parallel_loop3A_293 = arith.constant 2008 : i32
      %parallel_loop3A_294 = arith.constant 8 : i32
      %parallel_loop3A_295:4 = scf.for %parallel_loop3A_350 = %parallel_loop3A_292 to %parallel_loop3A_293 step %parallel_loop3A_294 iter_args(%parallel_loop3A_351 = %broadcast_in_dim3A_1, %parallel_loop3A_352 = %broadcast_in_dim3A_1, %parallel_loop3A_353 = %broadcast_in_dim3A_1, %parallel_loop3A_354 = %broadcast_in_dim3A_1) -> (vector<16xi32>, vector<16xi32>, vector<16xi32>, vector<16xi32>)  : i32 {
        %parallel_loop3A_355 = arith.constant 16 : i32
        %parallel_loop3A_356 = arith.muli %parallel_loop3A_350, %parallel_loop3A_355 : i32
        %parallel_loop3A_357 = arith.index_cast %parallel_loop3A_356 : i32 to index
        %parallel_loop3A_358 = tpu.vector_load %arg6[%parallel_loop3A_357] {strides = array<i32>} : memref<32128xi32, #tpu.memory_space<vmem>>, vector<16xi32>,
        %parallel_loop3A_359 = vector.shape_cast %parallel_loop3A_358 : vector<16xi32> to vector<16xi32>
        %parallel_loop3A_360 = arith.cmpi sge, %parallel_loop3A_359, %xor3A_291 : vector<16xi32>
        %parallel_loop3A_361 = arith.select %parallel_loop3A_360, %broadcast_in_dim3A_7, %broadcast_in_dim3A_1 : vector<16xi1>, vector<16xi32>
        %parallel_loop3A_362 = arith.addi %parallel_loop3A_351, %parallel_loop3A_361 : vector<16xi32>
        %parallel_loop3A_363 = arith.constant 16 : i32
        %parallel_loop3A_364 = arith.addi %parallel_loop3A_356, %parallel_loop3A_363 : i32
        %parallel_loop3A_365 = arith.index_cast %parallel_loop3A_364 : i32 to index
        %parallel_loop3A_366 = tpu.vector_load %arg6[%parallel_loop3A_365] {strides = array<i32>} : memref<32128xi32, #tpu.memory_space<vmem>>, vector<16xi32>,
        %parallel_loop3A_367 = vector.shape_cast %parallel_loop3A_366 : vector<16xi32> to vector<16xi32>
        %parallel_loop3A_368 = arith.cmpi sge, %parallel_loop3A_367, %xor3A_291 : vector<16xi32>
        %parallel_loop3A_369 = arith.select %parallel_loop3A_368, %broadcast_in_dim3A_7, %broadcast_in_dim3A_1 : vector<16xi1>, vector<16xi32>
        %parallel_loop3A_370 = arith.addi %parallel_loop3A_352, %parallel_loop3A_369 : vector<16xi32>
        %parallel_loop3A_371 = arith.constant 32 : i32
        %parallel_loop3A_372 = arith.addi %parallel_loop3A_356, %parallel_loop3A_371 : i32
        %parallel_loop3A_373 = arith.index_cast %parallel_loop3A_372 : i32 to index
        %parallel_loop3A_374 = tpu.vector_load %arg6[%parallel_loop3A_373] {strides = array<i32>} : memref<32128xi32, #tpu.memory_space<vmem>>, vector<16xi32>,
        %parallel_loop3A_375 = vector.shape_cast %parallel_loop3A_374 : vector<16xi32> to vector<16xi32>
        %parallel_loop3A_376 = arith.cmpi sge, %parallel_loop3A_375, %xor3A_291 : vector<16xi32>
        %parallel_loop3A_377 = arith.select %parallel_loop3A_376, %broadcast_in_dim3A_7, %broadcast_in_dim3A_1 : vector<16xi1>, vector<16xi32>
        %parallel_loop3A_378 = arith.addi %parallel_loop3A_353, %parallel_loop3A_377 : vector<16xi32>
        %parallel_loop3A_379 = arith.constant 48 : i32
        %parallel_loop3A_380 = arith.addi %parallel_loop3A_356, %parallel_loop3A_379 : i32
        %parallel_loop3A_381 = arith.index_cast %parallel_loop3A_380 : i32 to index
        %parallel_loop3A_382 = tpu.vector_load %arg6[%parallel_loop3A_381] {strides = array<i32>} : memref<32128xi32, #tpu.memory_space<vmem>>, vector<16xi32>,
        %parallel_loop3A_383 = vector.shape_cast %parallel_loop3A_382 : vector<16xi32> to vector<16xi32>
        %parallel_loop3A_384 = arith.cmpi sge, %parallel_loop3A_383, %xor3A_291 : vector<16xi32>
        %parallel_loop3A_385 = arith.select %parallel_loop3A_384, %broadcast_in_dim3A_7, %broadcast_in_dim3A_1 : vector<16xi1>, vector<16xi32>
        %parallel_loop3A_386 = arith.addi %parallel_loop3A_354, %parallel_loop3A_385 : vector<16xi32>
        %parallel_loop3A_387 = arith.constant 64 : i32
        %parallel_loop3A_388 = arith.addi %parallel_loop3A_356, %parallel_loop3A_387 : i32
        %parallel_loop3A_389 = arith.index_cast %parallel_loop3A_388 : i32 to index
        %parallel_loop3A_390 = tpu.vector_load %arg6[%parallel_loop3A_389] {strides = array<i32>} : memref<32128xi32, #tpu.memory_space<vmem>>, vector<16xi32>,
        %parallel_loop3A_391 = vector.shape_cast %parallel_loop3A_390 : vector<16xi32> to vector<16xi32>
        %parallel_loop3A_392 = arith.cmpi sge, %parallel_loop3A_391, %xor3A_291 : vector<16xi32>
        %parallel_loop3A_393 = arith.select %parallel_loop3A_392, %broadcast_in_dim3A_7, %broadcast_in_dim3A_1 : vector<16xi1>, vector<16xi32>
        %parallel_loop3A_394 = arith.addi %parallel_loop3A_362, %parallel_loop3A_393 : vector<16xi32>
        %parallel_loop3A_395 = arith.constant 80 : i32
        %parallel_loop3A_396 = arith.addi %parallel_loop3A_356, %parallel_loop3A_395 : i32
        %parallel_loop3A_397 = arith.index_cast %parallel_loop3A_396 : i32 to index
        %parallel_loop3A_398 = tpu.vector_load %arg6[%parallel_loop3A_397] {strides = array<i32>} : memref<32128xi32, #tpu.memory_space<vmem>>, vector<16xi32>,
        %parallel_loop3A_399 = vector.shape_cast %parallel_loop3A_398 : vector<16xi32> to vector<16xi32>
        %parallel_loop3A_400 = arith.cmpi sge, %parallel_loop3A_399, %xor3A_291 : vector<16xi32>
        %parallel_loop3A_401 = arith.select %parallel_loop3A_400, %broadcast_in_dim3A_7, %broadcast_in_dim3A_1 : vector<16xi1>, vector<16xi32>
        %parallel_loop3A_402 = arith.addi %parallel_loop3A_370, %parallel_loop3A_401 : vector<16xi32>
        %parallel_loop3A_403 = arith.constant 96 : i32
        %parallel_loop3A_404 = arith.addi %parallel_loop3A_356, %parallel_loop3A_403 : i32
        %parallel_loop3A_405 = arith.index_cast %parallel_loop3A_404 : i32 to index
        %parallel_loop3A_406 = tpu.vector_load %arg6[%parallel_loop3A_405] {strides = array<i32>} : memref<32128xi32, #tpu.memory_space<vmem>>, vector<16xi32>,
        %parallel_loop3A_407 = vector.shape_cast %parallel_loop3A_406 : vector<16xi32> to vector<16xi32>
        %parallel_loop3A_408 = arith.cmpi sge, %parallel_loop3A_407, %xor3A_291 : vector<16xi32>
        %parallel_loop3A_409 = arith.select %parallel_loop3A_408, %broadcast_in_dim3A_7, %broadcast_in_dim3A_1 : vector<16xi1>, vector<16xi32>
        %parallel_loop3A_410 = arith.addi %parallel_loop3A_378, %parallel_loop3A_409 : vector<16xi32>
        %parallel_loop3A_411 = arith.constant 112 : i32
        %parallel_loop3A_412 = arith.addi %parallel_loop3A_356, %parallel_loop3A_411 : i32
        %parallel_loop3A_413 = arith.index_cast %parallel_loop3A_412 : i32 to index
        %parallel_loop3A_414 = tpu.vector_load %arg6[%parallel_loop3A_413] {strides = array<i32>} : memref<32128xi32, #tpu.memory_space<vmem>>, vector<16xi32>,
        %parallel_loop3A_415 = vector.shape_cast %parallel_loop3A_414 : vector<16xi32> to vector<16xi32>
        %parallel_loop3A_416 = arith.cmpi sge, %parallel_loop3A_415, %xor3A_291 : vector<16xi32>
        %parallel_loop3A_417 = arith.select %parallel_loop3A_416, %broadcast_in_dim3A_7, %broadcast_in_dim3A_1 : vector<16xi1>, vector<16xi32>
        %parallel_loop3A_418 = arith.addi %parallel_loop3A_386, %parallel_loop3A_417 : vector<16xi32>
        scf.yield %parallel_loop3A_394, %parallel_loop3A_402, %parallel_loop3A_410, %parallel_loop3A_418 : vector<16xi32>, vector<16xi32>, vector<16xi32>, vector<16xi32>
      } {sc.loop_unroll_factor = 1 : i64, sc.parallel_access}
      %add3A_296 = arith.addi %parallel_loop3A_295#0, %parallel_loop3A_295#1 : vector<16xi32>
      %add3A_297 = arith.addi %parallel_loop3A_295#2, %parallel_loop3A_295#3 : vector<16xi32>
      %add3A_298 = arith.addi %add3A_296, %add3A_297 : vector<16xi32>
      %swap3A_299 = arith.constant 0 : index
      %swap3A_300 = tpu.vector_load %arg8[%swap3A_299] {strides = array<i32>} : memref<32xi32, #tpu.memory_space<vmem>>, vector<16xi32>,
      %swap3A_301 = vector.shape_cast %swap3A_300 : vector<16xi32> to vector<16xi32>
      %swap3A_302 = vector.shape_cast %add3A_298 : vector<16xi32> to vector<16xi32>
      tpu.vector_store %arg8[%swap3A_299], %swap3A_302 {strides = array<i32>} : memref<32xi32, #tpu.memory_space<vmem>>, vector<16xi32>,
      %swap3A_303 = arith.constant 16 : index
      %swap3A_304 = tpu.vector_load %arg8[%swap3A_303] {strides = array<i32>} : memref<32xi32, #tpu.memory_space<vmem>>, vector<16xi32>,
      %swap3A_305 = vector.shape_cast %swap3A_304 : vector<16xi32> to vector<16xi32>
      %swap3A_306 = vector.shape_cast %add3A_298 : vector<16xi32> to vector<16xi32>
      tpu.vector_store %arg8[%swap3A_303], %swap3A_306 {strides = array<i32>} : memref<32xi32, #tpu.memory_space<vmem>>, vector<16xi32>,
      %get3A_307 = arith.constant 1 : index
      %get3A_308 = tpu.vector_load %arg8[%get3A_307] {strides = array<i32>} : memref<32xi32, #tpu.memory_space<vmem>>, vector<16xi32>,
      %get3A_309 = vector.shape_cast %get3A_308 : vector<16xi32> to vector<16xi32>
      %add3A_310 = arith.addi %add3A_298, %get3A_309 : vector<16xi32>
      %swap3A_311 = arith.constant 0 : index
      %swap3A_312 = tpu.vector_load %arg8[%swap3A_311] {strides = array<i32>} : memref<32xi32, #tpu.memory_space<vmem>>, vector<16xi32>,
      %swap3A_313 = vector.shape_cast %swap3A_312 : vector<16xi32> to vector<16xi32>
      %swap3A_314 = vector.shape_cast %add3A_310 : vector<16xi32> to vector<16xi32>
      tpu.vector_store %arg8[%swap3A_311], %swap3A_314 {strides = array<i32>} : memref<32xi32, #tpu.memory_space<vmem>>, vector<16xi32>,
      %swap3A_315 = arith.constant 16 : index
      %swap3A_316 = tpu.vector_load %arg8[%swap3A_315] {strides = array<i32>} : memref<32xi32, #tpu.memory_space<vmem>>, vector<16xi32>,
      %swap3A_317 = vector.shape_cast %swap3A_316 : vector<16xi32> to vector<16xi32>
      %swap3A_318 = vector.shape_cast %add3A_310 : vector<16xi32> to vector<16xi32>
      tpu.vector_store %arg8[%swap3A_315], %swap3A_318 {strides = array<i32>} : memref<32xi32, #tpu.memory_space<vmem>>, vector<16xi32>,
      %get3A_319 = arith.constant 2 : index
      %get3A_320 = tpu.vector_load %arg8[%get3A_319] {strides = array<i32>} : memref<32xi32, #tpu.memory_space<vmem>>, vector<16xi32>,
      %get3A_321 = vector.shape_cast %get3A_320 : vector<16xi32> to vector<16xi32>
      %add3A_322 = arith.addi %add3A_310, %get3A_321 : vector<16xi32>
      %swap3A_323 = arith.constant 0 : index
      %swap3A_324 = tpu.vector_load %arg8[%swap3A_323] {strides = array<i32>} : memref<32xi32, #tpu.memory_space<vmem>>, vector<16xi32>,
      %swap3A_325 = vector.shape_cast %swap3A_324 : vector<16xi32> to vector<16xi32>
      %swap3A_326 = vector.shape_cast %add3A_322 : vector<16xi32> to vector<16xi32>
      tpu.vector_store %arg8[%swap3A_323], %swap3A_326 {strides = array<i32>} : memref<32xi32, #tpu.memory_space<vmem>>, vector<16xi32>,
      %swap3A_327 = arith.constant 16 : index
      %swap3A_328 = tpu.vector_load %arg8[%swap3A_327] {strides = array<i32>} : memref<32xi32, #tpu.memory_space<vmem>>, vector<16xi32>,
      %swap3A_329 = vector.shape_cast %swap3A_328 : vector<16xi32> to vector<16xi32>
      %swap3A_330 = vector.shape_cast %add3A_322 : vector<16xi32> to vector<16xi32>
      tpu.vector_store %arg8[%swap3A_327], %swap3A_330 {strides = array<i32>} : memref<32xi32, #tpu.memory_space<vmem>>, vector<16xi32>,
      %get3A_331 = arith.constant 4 : index
      %get3A_332 = tpu.vector_load %arg8[%get3A_331] {strides = array<i32>} : memref<32xi32, #tpu.memory_space<vmem>>, vector<16xi32>,
      %get3A_333 = vector.shape_cast %get3A_332 : vector<16xi32> to vector<16xi32>
      %add3A_334 = arith.addi %add3A_322, %get3A_333 : vector<16xi32>
      %swap3A_335 = arith.constant 0 : index
      %swap3A_336 = tpu.vector_load %arg8[%swap3A_335] {strides = array<i32>} : memref<32xi32, #tpu.memory_space<vmem>>, vector<16xi32>,
      %swap3A_337 = vector.shape_cast %swap3A_336 : vector<16xi32> to vector<16xi32>
      %swap3A_338 = vector.shape_cast %add3A_334 : vector<16xi32> to vector<16xi32>
      tpu.vector_store %arg8[%swap3A_335], %swap3A_338 {strides = array<i32>} : memref<32xi32, #tpu.memory_space<vmem>>, vector<16xi32>,
      %swap3A_339 = arith.constant 16 : index
      %swap3A_340 = tpu.vector_load %arg8[%swap3A_339] {strides = array<i32>} : memref<32xi32, #tpu.memory_space<vmem>>, vector<16xi32>,
      %swap3A_341 = vector.shape_cast %swap3A_340 : vector<16xi32> to vector<16xi32>
      %swap3A_342 = vector.shape_cast %add3A_334 : vector<16xi32> to vector<16xi32>
      tpu.vector_store %arg8[%swap3A_339], %swap3A_342 {strides = array<i32>} : memref<32xi32, #tpu.memory_space<vmem>>, vector<16xi32>,
      %get3A_343 = arith.constant 8 : index
      %get3A_344 = tpu.vector_load %arg8[%get3A_343] {strides = array<i32>} : memref<32xi32, #tpu.memory_space<vmem>>, vector<16xi32>,
      %get3A_345 = vector.shape_cast %get3A_344 : vector<16xi32> to vector<16xi32>
      %add3A_346 = arith.addi %add3A_334, %get3A_345 : vector<16xi32>
      %ge3A = arith.cmpi sge, %add3A_346, %broadcast_in_dim3A_11 : vector<16xi32>
      %select_n3A = arith.select %ge3A, %or3A_290, %while3A_288 : vector<16xi1>, vector<16xi32>
      %broadcast_in_dim3A_347 = arith.constant 1 : i32
      %broadcast_in_dim3A_348 = vector.broadcast %broadcast_in_dim3A_347 : i32 to vector<16xi32>
      %shift_right_logical3A_349 = arith.shrui %while3A_289, %broadcast_in_dim3A_348 : vector<16xi32>
      scf.yield %select_n3A, %shift_right_logical3A_349 : vector<16xi32>, vector<16xi32>
    }
    %xor3A_230 = arith.xori %while3A_229#0, %broadcast_in_dim3A_9 : vector<16xi32>
    %parallel_loop3A_231 = arith.constant 0 : i32
    %parallel_loop3A_232 = arith.constant 2008 : i32
    %parallel_loop3A_233 = arith.constant 2 : i32
    %parallel_loop3A_234:2 = scf.for %parallel_loop3A_287 = %parallel_loop3A_231 to %parallel_loop3A_232 step %parallel_loop3A_233 iter_args(%parallel_loop3A_288 = %broadcast_in_dim3A_3, %parallel_loop3A_289 = %broadcast_in_dim3A_3) -> (vector<16xf32>, vector<16xf32>)  : i32 {
      %parallel_loop3A_290 = arith.constant 16 : i32
      %parallel_loop3A_291 = arith.muli %parallel_loop3A_287, %parallel_loop3A_290 : i32
      %parallel_loop3A_292 = arith.index_cast %parallel_loop3A_291 : i32 to index
      %parallel_loop3A_293 = tpu.vector_load %arg5[%parallel_loop3A_292] {strides = array<i32>} : memref<32128xf32, #tpu.memory_space<vmem>>, vector<16xf32>,
      %parallel_loop3A_294 = vector.shape_cast %parallel_loop3A_293 : vector<16xf32> to vector<16xf32>
      %parallel_loop3A_295 = arith.constant 16 : i32
      %parallel_loop3A_296 = arith.addi %parallel_loop3A_291, %parallel_loop3A_295 : i32
      %parallel_loop3A_297 = arith.index_cast %parallel_loop3A_296 : i32 to index
      %parallel_loop3A_298 = tpu.vector_load %arg5[%parallel_loop3A_297] {strides = array<i32>} : memref<32128xf32, #tpu.memory_space<vmem>>, vector<16xf32>,
      %parallel_loop3A_299 = vector.shape_cast %parallel_loop3A_298 : vector<16xf32> to vector<16xf32>
      %parallel_loop3A_300 = arith.index_cast %parallel_loop3A_291 : i32 to index
      %parallel_loop3A_301 = tpu.vector_load %arg6[%parallel_loop3A_300] {strides = array<i32>} : memref<32128xi32, #tpu.memory_space<vmem>>, vector<16xi32>,
      %parallel_loop3A_302 = vector.shape_cast %parallel_loop3A_301 : vector<16xi32> to vector<16xi32>
      %parallel_loop3A_303 = arith.constant 16 : i32
      %parallel_loop3A_304 = arith.addi %parallel_loop3A_291, %parallel_loop3A_303 : i32
      %parallel_loop3A_305 = arith.index_cast %parallel_loop3A_304 : i32 to index
      %parallel_loop3A_306 = tpu.vector_load %arg6[%parallel_loop3A_305] {strides = array<i32>} : memref<32128xi32, #tpu.memory_space<vmem>>, vector<16xi32>,
      %parallel_loop3A_307 = vector.shape_cast %parallel_loop3A_306 : vector<16xi32> to vector<16xi32>
      %parallel_loop3A_308 = arith.cmpi sge, %parallel_loop3A_302, %xor3A_230 : vector<16xi32>
      %parallel_loop3A_309 = arith.subf %parallel_loop3A_294, %max3A_64 : vector<16xf32>
      %parallel_loop3A_310 = math.exp %parallel_loop3A_309 : vector<16xf32>
      %parallel_loop3A_311 = arith.select %parallel_loop3A_308, %parallel_loop3A_310, %broadcast_in_dim3A_3 : vector<16xi1>, vector<16xf32>
      %parallel_loop3A_312 = arith.cmpi sge, %parallel_loop3A_307, %xor3A_230 : vector<16xi32>
      %parallel_loop3A_313 = arith.subf %parallel_loop3A_299, %max3A_64 : vector<16xf32>
      %parallel_loop3A_314 = math.exp %parallel_loop3A_313 : vector<16xf32>
      %parallel_loop3A_315 = arith.select %parallel_loop3A_312, %parallel_loop3A_314, %broadcast_in_dim3A_3 : vector<16xi1>, vector<16xf32>
      %parallel_loop3A_316 = arith.index_cast %parallel_loop3A_291 : i32 to index
      %parallel_loop3A_317 = tpu.vector_load %arg5[%parallel_loop3A_316] {strides = array<i32>} : memref<32128xf32, #tpu.memory_space<vmem>>, vector<16xf32>,
      %parallel_loop3A_318 = vector.shape_cast %parallel_loop3A_317 : vector<16xf32> to vector<16xf32>
      %parallel_loop3A_319 = vector.shape_cast %parallel_loop3A_311 : vector<16xf32> to vector<16xf32>
      tpu.vector_store %arg5[%parallel_loop3A_316], %parallel_loop3A_319 {strides = array<i32>} : memref<32128xf32, #tpu.memory_space<vmem>>, vector<16xf32>,
      %parallel_loop3A_320 = arith.constant 16 : i32
      %parallel_loop3A_321 = arith.addi %parallel_loop3A_291, %parallel_loop3A_320 : i32
      %parallel_loop3A_322 = arith.index_cast %parallel_loop3A_321 : i32 to index
      %parallel_loop3A_323 = tpu.vector_load %arg5[%parallel_loop3A_322] {strides = array<i32>} : memref<32128xf32, #tpu.memory_space<vmem>>, vector<16xf32>,
      %parallel_loop3A_324 = vector.shape_cast %parallel_loop3A_323 : vector<16xf32> to vector<16xf32>
      %parallel_loop3A_325 = vector.shape_cast %parallel_loop3A_315 : vector<16xf32> to vector<16xf32>
      tpu.vector_store %arg5[%parallel_loop3A_322], %parallel_loop3A_325 {strides = array<i32>} : memref<32128xf32, #tpu.memory_space<vmem>>, vector<16xf32>,
      %parallel_loop3A_326 = arith.addf %parallel_loop3A_288, %parallel_loop3A_311 : vector<16xf32>
      %parallel_loop3A_327 = arith.addf %parallel_loop3A_289, %parallel_loop3A_315 : vector<16xf32>
      scf.yield %parallel_loop3A_326, %parallel_loop3A_327 : vector<16xf32>, vector<16xf32>
    } {sc.loop_unroll_factor = 1 : i64, sc.parallel_access}
    %add3A_235 = arith.addf %parallel_loop3A_234#0, %parallel_loop3A_234#1 : vector<16xf32>
    %swap3A_236 = arith.constant 0 : index
    %swap3A_237 = tpu.vector_load %arg7[%swap3A_236] {strides = array<i32>} : memref<32xf32, #tpu.memory_space<vmem>>, vector<16xf32>,
    %swap3A_238 = vector.shape_cast %swap3A_237 : vector<16xf32> to vector<16xf32>
    %swap3A_239 = vector.shape_cast %add3A_235 : vector<16xf32> to vector<16xf32>
    tpu.vector_store %arg7[%swap3A_236], %swap3A_239 {strides = array<i32>} : memref<32xf32, #tpu.memory_space<vmem>>, vector<16xf32>,
    %swap3A_240 = arith.constant 16 : index
    %swap3A_241 = tpu.vector_load %arg7[%swap3A_240] {strides = array<i32>} : memref<32xf32, #tpu.memory_space<vmem>>, vector<16xf32>,
    %swap3A_242 = vector.shape_cast %swap3A_241 : vector<16xf32> to vector<16xf32>
    %swap3A_243 = vector.shape_cast %add3A_235 : vector<16xf32> to vector<16xf32>
    tpu.vector_store %arg7[%swap3A_240], %swap3A_243 {strides = array<i32>} : memref<32xf32, #tpu.memory_space<vmem>>, vector<16xf32>,
    %get3A_244 = arith.constant 1 : index
    %get3A_245 = tpu.vector_load %arg7[%get3A_244] {strides = array<i32>} : memref<32xf32, #tpu.memory_space<vmem>>, vector<16xf32>,
    %get3A_246 = vector.shape_cast %get3A_245 : vector<16xf32> to vector<16xf32>
    %add3A_247 = arith.addf %add3A_235, %get3A_246 : vector<16xf32>
    %swap3A_248 = arith.constant 0 : index
    %swap3A_249 = tpu.vector_load %arg7[%swap3A_248] {strides = array<i32>} : memref<32xf32, #tpu.memory_space<vmem>>, vector<16xf32>,
    %swap3A_250 = vector.shape_cast %swap3A_249 : vector<16xf32> to vector<16xf32>
    %swap3A_251 = vector.shape_cast %add3A_247 : vector<16xf32> to vector<16xf32>
    tpu.vector_store %arg7[%swap3A_248], %swap3A_251 {strides = array<i32>} : memref<32xf32, #tpu.memory_space<vmem>>, vector<16xf32>,
    %swap3A_252 = arith.constant 16 : index
    %swap3A_253 = tpu.vector_load %arg7[%swap3A_252] {strides = array<i32>} : memref<32xf32, #tpu.memory_space<vmem>>, vector<16xf32>,
    %swap3A_254 = vector.shape_cast %swap3A_253 : vector<16xf32> to vector<16xf32>
    %swap3A_255 = vector.shape_cast %add3A_247 : vector<16xf32> to vector<16xf32>
    tpu.vector_store %arg7[%swap3A_252], %swap3A_255 {strides = array<i32>} : memref<32xf32, #tpu.memory_space<vmem>>, vector<16xf32>,
    %get3A_256 = arith.constant 2 : index
    %get3A_257 = tpu.vector_load %arg7[%get3A_256] {strides = array<i32>} : memref<32xf32, #tpu.memory_space<vmem>>, vector<16xf32>,
    %get3A_258 = vector.shape_cast %get3A_257 : vector<16xf32> to vector<16xf32>
    %add3A_259 = arith.addf %add3A_247, %get3A_258 : vector<16xf32>
    %swap3A_260 = arith.constant 0 : index
    %swap3A_261 = tpu.vector_load %arg7[%swap3A_260] {strides = array<i32>} : memref<32xf32, #tpu.memory_space<vmem>>, vector<16xf32>,
    %swap3A_262 = vector.shape_cast %swap3A_261 : vector<16xf32> to vector<16xf32>
    %swap3A_263 = vector.shape_cast %add3A_259 : vector<16xf32> to vector<16xf32>
    tpu.vector_store %arg7[%swap3A_260], %swap3A_263 {strides = array<i32>} : memref<32xf32, #tpu.memory_space<vmem>>, vector<16xf32>,
    %swap3A_264 = arith.constant 16 : index
    %swap3A_265 = tpu.vector_load %arg7[%swap3A_264] {strides = array<i32>} : memref<32xf32, #tpu.memory_space<vmem>>, vector<16xf32>,
    %swap3A_266 = vector.shape_cast %swap3A_265 : vector<16xf32> to vector<16xf32>
    %swap3A_267 = vector.shape_cast %add3A_259 : vector<16xf32> to vector<16xf32>
    tpu.vector_store %arg7[%swap3A_264], %swap3A_267 {strides = array<i32>} : memref<32xf32, #tpu.memory_space<vmem>>, vector<16xf32>,
    %get3A_268 = arith.constant 4 : index
    %get3A_269 = tpu.vector_load %arg7[%get3A_268] {strides = array<i32>} : memref<32xf32, #tpu.memory_space<vmem>>, vector<16xf32>,
    %get3A_270 = vector.shape_cast %get3A_269 : vector<16xf32> to vector<16xf32>
    %add3A_271 = arith.addf %add3A_259, %get3A_270 : vector<16xf32>
    %swap3A_272 = arith.constant 0 : index
    %swap3A_273 = tpu.vector_load %arg7[%swap3A_272] {strides = array<i32>} : memref<32xf32, #tpu.memory_space<vmem>>, vector<16xf32>,
    %swap3A_274 = vector.shape_cast %swap3A_273 : vector<16xf32> to vector<16xf32>
    %swap3A_275 = vector.shape_cast %add3A_271 : vector<16xf32> to vector<16xf32>
    tpu.vector_store %arg7[%swap3A_272], %swap3A_275 {strides = array<i32>} : memref<32xf32, #tpu.memory_space<vmem>>, vector<16xf32>,
    %swap3A_276 = arith.constant 16 : index
    %swap3A_277 = tpu.vector_load %arg7[%swap3A_276] {strides = array<i32>} : memref<32xf32, #tpu.memory_space<vmem>>, vector<16xf32>,
    %swap3A_278 = vector.shape_cast %swap3A_277 : vector<16xf32> to vector<16xf32>
    %swap3A_279 = vector.shape_cast %add3A_271 : vector<16xf32> to vector<16xf32>
    tpu.vector_store %arg7[%swap3A_276], %swap3A_279 {strides = array<i32>} : memref<32xf32, #tpu.memory_space<vmem>>, vector<16xf32>,
    %get3A_280 = arith.constant 8 : index
    %get3A_281 = tpu.vector_load %arg7[%get3A_280] {strides = array<i32>} : memref<32xf32, #tpu.memory_space<vmem>>, vector<16xf32>,
    %get3A_282 = vector.shape_cast %get3A_281 : vector<16xf32> to vector<16xf32>
    %add3A_283 = arith.addf %add3A_271, %get3A_282 : vector<16xf32>
    %div3A = arith.divf %broadcast_in_dim3A_5, %add3A_283 : vector<16xf32>
    %parallel_loop3A_284 = arith.constant 0 : i32
    %parallel_loop3A_285 = arith.constant 2008 : i32
    %parallel_loop3A_286 = arith.constant 4 : i32
    scf.for %parallel_loop3A_287 = %parallel_loop3A_284 to %parallel_loop3A_285 step %parallel_loop3A_286  : i32 {
      %parallel_loop3A_288 = arith.constant 16 : i32
      %parallel_loop3A_289 = arith.muli %parallel_loop3A_287, %parallel_loop3A_288 : i32
      %parallel_loop3A_290 = arith.index_cast %parallel_loop3A_289 : i32 to index
      %parallel_loop3A_291 = tpu.vector_load %arg5[%parallel_loop3A_290] {strides = array<i32>} : memref<32128xf32, #tpu.memory_space<vmem>>, vector<16xf32>,
      %parallel_loop3A_292 = vector.shape_cast %parallel_loop3A_291 : vector<16xf32> to vector<16xf32>
      %parallel_loop3A_293 = arith.mulf %parallel_loop3A_292, %div3A : vector<16xf32>
      %parallel_loop3A_294 = arith.index_cast %parallel_loop3A_289 : i32 to index
      %parallel_loop3A_295 = tpu.vector_load %arg5[%parallel_loop3A_294] {strides = array<i32>} : memref<32128xf32, #tpu.memory_space<vmem>>, vector<16xf32>,
      %parallel_loop3A_296 = vector.shape_cast %parallel_loop3A_295 : vector<16xf32> to vector<16xf32>
      %parallel_loop3A_297 = vector.shape_cast %parallel_loop3A_293 : vector<16xf32> to vector<16xf32>
      tpu.vector_store %arg5[%parallel_loop3A_294], %parallel_loop3A_297 {strides = array<i32>} : memref<32128xf32, #tpu.memory_space<vmem>>, vector<16xf32>,
      %parallel_loop3A_298 = arith.constant 16 : i32
      %parallel_loop3A_299 = arith.addi %parallel_loop3A_289, %parallel_loop3A_298 : i32
      %parallel_loop3A_300 = arith.index_cast %parallel_loop3A_299 : i32 to index
      %parallel_loop3A_301 = tpu.vector_load %arg5[%parallel_loop3A_300] {strides = array<i32>} : memref<32128xf32, #tpu.memory_space<vmem>>, vector<16xf32>,
      %parallel_loop3A_302 = vector.shape_cast %parallel_loop3A_301 : vector<16xf32> to vector<16xf32>
      %parallel_loop3A_303 = arith.mulf %parallel_loop3A_302, %div3A : vector<16xf32>
      %parallel_loop3A_304 = arith.constant 16 : i32
      %parallel_loop3A_305 = arith.addi %parallel_loop3A_289, %parallel_loop3A_304 : i32
      %parallel_loop3A_306 = arith.index_cast %parallel_loop3A_305 : i32 to index
      %parallel_loop3A_307 = tpu.vector_load %arg5[%parallel_loop3A_306] {strides = array<i32>} : memref<32128xf32, #tpu.memory_space<vmem>>, vector<16xf32>,
      %parallel_loop3A_308 = vector.shape_cast %parallel_loop3A_307 : vector<16xf32> to vector<16xf32>
      %parallel_loop3A_309 = vector.shape_cast %parallel_loop3A_303 : vector<16xf32> to vector<16xf32>
      tpu.vector_store %arg5[%parallel_loop3A_306], %parallel_loop3A_309 {strides = array<i32>} : memref<32128xf32, #tpu.memory_space<vmem>>, vector<16xf32>,
      %parallel_loop3A_310 = arith.constant 32 : i32
      %parallel_loop3A_311 = arith.addi %parallel_loop3A_289, %parallel_loop3A_310 : i32
      %parallel_loop3A_312 = arith.index_cast %parallel_loop3A_311 : i32 to index
      %parallel_loop3A_313 = tpu.vector_load %arg5[%parallel_loop3A_312] {strides = array<i32>} : memref<32128xf32, #tpu.memory_space<vmem>>, vector<16xf32>,
      %parallel_loop3A_314 = vector.shape_cast %parallel_loop3A_313 : vector<16xf32> to vector<16xf32>
      %parallel_loop3A_315 = arith.mulf %parallel_loop3A_314, %div3A : vector<16xf32>
      %parallel_loop3A_316 = arith.constant 32 : i32
      %parallel_loop3A_317 = arith.addi %parallel_loop3A_289, %parallel_loop3A_316 : i32
      %parallel_loop3A_318 = arith.index_cast %parallel_loop3A_317 : i32 to index
      %parallel_loop3A_319 = tpu.vector_load %arg5[%parallel_loop3A_318] {strides = array<i32>} : memref<32128xf32, #tpu.memory_space<vmem>>, vector<16xf32>,
      %parallel_loop3A_320 = vector.shape_cast %parallel_loop3A_319 : vector<16xf32> to vector<16xf32>
      %parallel_loop3A_321 = vector.shape_cast %parallel_loop3A_315 : vector<16xf32> to vector<16xf32>
      tpu.vector_store %arg5[%parallel_loop3A_318], %parallel_loop3A_321 {strides = array<i32>} : memref<32128xf32, #tpu.memory_space<vmem>>, vector<16xf32>,
      %parallel_loop3A_322 = arith.constant 48 : i32
      %parallel_loop3A_323 = arith.addi %parallel_loop3A_289, %parallel_loop3A_322 : i32
      %parallel_loop3A_324 = arith.index_cast %parallel_loop3A_323 : i32 to index
      %parallel_loop3A_325 = tpu.vector_load %arg5[%parallel_loop3A_324] {strides = array<i32>} : memref<32128xf32, #tpu.memory_space<vmem>>, vector<16xf32>,
      %parallel_loop3A_326 = vector.shape_cast %parallel_loop3A_325 : vector<16xf32> to vector<16xf32>
      %parallel_loop3A_327 = arith.mulf %parallel_loop3A_326, %div3A : vector<16xf32>
      %parallel_loop3A_328 = arith.constant 48 : i32
      %parallel_loop3A_329 = arith.addi %parallel_loop3A_289, %parallel_loop3A_328 : i32
      %parallel_loop3A_330 = arith.index_cast %parallel_loop3A_329 : i32 to index
      %parallel_loop3A_331 = tpu.vector_load %arg5[%parallel_loop3A_330] {strides = array<i32>} : memref<32128xf32, #tpu.memory_space<vmem>>, vector<16xf32>,
      %parallel_loop3A_332 = vector.shape_cast %parallel_loop3A_331 : vector<16xf32> to vector<16xf32>
      %parallel_loop3A_333 = vector.shape_cast %parallel_loop3A_327 : vector<16xf32> to vector<16xf32>
      tpu.vector_store %arg5[%parallel_loop3A_330], %parallel_loop3A_333 {strides = array<i32>} : memref<32128xf32, #tpu.memory_space<vmem>>, vector<16xf32>,
    } {sc.loop_unroll_factor = 1 : i64, sc.parallel_access}
    "tpu.region"() ({
      %run_scoped3A = tpu.sem_alloc : memref<!tpu.dma_semaphore, #tpu.memory_space<semaphore_mem>>
      %dma_start3A = arith.constant 0 : i32
      %dma_start3A_287 = tpu.memref_slice %arg4[%add3A, %dma_start3A] : memref<32x32128xf32, #tpu.memory_space<hbm>> -> memref<1x32128xf32, #tpu.memory_space<hbm>>
      %dma_start3A_288 = tpu.memref_squeeze %dma_start3A_287 : memref<1x32128xf32, #tpu.memory_space<hbm>> -> memref<32128xf32, #tpu.memory_space<hbm>>
      %dma_start3A_289 = arith.constant 0 : i32
      %dma_start3A_290 = tpu.memref_slice %arg4[%add3A, %dma_start3A_289] : memref<32x32128xf32, #tpu.memory_space<hbm>> -> memref<1x32128xf32, #tpu.memory_space<hbm>>
      %dma_start3A_291 = tpu.memref_squeeze %dma_start3A_290 : memref<1x32128xf32, #tpu.memory_space<hbm>> -> memref<32128xf32, #tpu.memory_space<hbm>>
      tpu.enqueue_dma source(%arg5 : memref<32128xf32, #tpu.memory_space<vmem>>) target(%dma_start3A_291 : memref<32128xf32, #tpu.memory_space<hbm>>) target_semaphore(%run_scoped3A : memref<!tpu.dma_semaphore, #tpu.memory_space<semaphore_mem>>)
      %dma_wait3A = arith.constant 0 : i32
      %dma_wait3A_292 = tpu.memref_slice %arg4[%add3A, %dma_wait3A] : memref<32x32128xf32, #tpu.memory_space<hbm>> -> memref<1x32128xf32, #tpu.memory_space<hbm>>
      %dma_wait3A_293 = tpu.memref_squeeze %dma_wait3A_292 : memref<1x32128xf32, #tpu.memory_space<hbm>> -> memref<32128xf32, #tpu.memory_space<hbm>>
      %dma_wait3A_294 = arith.constant 0 : i32
      %dma_wait3A_295 = tpu.memref_slice %arg4[%add3A, %dma_wait3A_294] : memref<32x32128xf32, #tpu.memory_space<hbm>> -> memref<1x32128xf32, #tpu.memory_space<hbm>>
      %dma_wait3A_296 = tpu.memref_squeeze %dma_wait3A_295 : memref<1x32128xf32, #tpu.memory_space<hbm>> -> memref<32128xf32, #tpu.memory_space<hbm>>
      tpu.wait_dma2 semaphore(%run_scoped3A : memref<!tpu.dma_semaphore, #tpu.memory_space<semaphore_mem>>) src(%arg5 : memref<32128xf32, #tpu.memory_space<vmem>>) dst(%dma_wait3A_296 : memref<32128xf32, #tpu.memory_space<hbm>>)
      tpu.yield
    }) : () -> ()
    return
  }
}

module attributes {stable_mosaic.version = 14 : i64} {
  func.func @_tc_body(%arg0: i32, %arg1: memref<16x32128xf32, #tpu.memory_space<vmem>>, %arg2: memref<16x32128xf32, #tpu.memory_space<vmem>>) attributes {dimension_semantics = [#tpu.dimension_semantics<arbitrary>], iteration_bounds = array<i64: 6>, scalar_prefetch = 0 : i64, scratch_operands = 0 : i64, tpu.core_type = #tpu.core_type<tc>, window_params = [{transform_indices = @transform_0, window_bounds = array<i64: 16, 32128>}, {transform_indices = @transform_1, window_bounds = array<i64: 16, 32128>}]} {
    %get3A = arith.constant 0 : index
    %get3A_0 = arith.constant 0 : index
    %get3A_1 = vector.load %arg1[%get3A, %get3A_0] : memref<16x32128xf32, #tpu.memory_space<vmem>>, vector<16x32128xf32>
    %bitcast_convert_type3A = tpu.bitcast %get3A_1 : vector<16x32128xf32> -> vector<16x32128xi32>
    %lt3A = arith.constant 0 : i32
    %lt3A_2 = vector.broadcast %lt3A : i32 to vector<16x32128xi32>
    %lt3A_3 = arith.cmpi slt, %bitcast_convert_type3A, %lt3A_2 : vector<16x32128xi32>
    %xor3A = arith.constant 2147483647 : i32
    %xor3A_4 = vector.broadcast %xor3A : i32 to vector<16x32128xi32>
    %xor3A_5 = arith.xori %bitcast_convert_type3A, %xor3A_4 : vector<16x32128xi32>
    %select_n3A = arith.select %lt3A_3, %xor3A_5, %bitcast_convert_type3A : vector<16x32128xi1>, vector<16x32128xi32>
    %broadcast_in_dim3A = arith.constant 0 : i32
    %broadcast_in_dim3A_6 = vector.broadcast %broadcast_in_dim3A : i32 to vector<16x1xi32>
    %scan3A = arith.constant -2147483648 : i32
    %scan3A_7 = arith.constant 0 : i32
    %scan3A_8 = arith.constant 32 : i32
    %scan3A_9 = arith.addi %scan3A_7, %scan3A_8 : i32
    %scan3A_10 = arith.constant 1 : i32
    %scan3A_11 = scf.for %scan3A_38 = %scan3A_7 to %scan3A_9 step %scan3A_10 iter_args(%scan3A_39 = %broadcast_in_dim3A_6) -> (vector<16x1xi32>)  : i32 {
      %sub3A_40 = arith.constant 31 : i32
      %sub3A_41 = arith.subi %sub3A_40, %scan3A_38 : i32
      %shift_left3A = arith.constant 1 : i32
      %shift_left3A_42 = arith.shli %shift_left3A, %sub3A_41 : i32
      %or3A = vector.broadcast %shift_left3A_42 : i32 to vector<16x1xi32>
      %or3A_43 = arith.ori %scan3A_39, %or3A : vector<16x1xi32>
      %xor3A_44 = vector.broadcast %scan3A : i32 to vector<16x1xi32>
      %xor3A_45 = arith.xori %or3A_43, %xor3A_44 : vector<16x1xi32>
      %ge3A = vector.broadcast %xor3A_45 : vector<16x1xi32> to vector<16x32128xi32>
      %ge3A_46 = arith.cmpi sge, %select_n3A, %ge3A : vector<16x32128xi32>
      %convert_element_type3A = arith.extui %ge3A_46 : vector<16x32128xi1> to vector<16x32128xi32>
      %reduce_sum3A_47 = arith.constant dense<0> : vector<16xi32>
      %reduce_sum3A_48 = vector.multi_reduction <add>, %convert_element_type3A, %reduce_sum3A_47 [1] : vector<16x32128xi32> to vector<16xi32>
      %broadcast_in_dim3A_49 = vector.shape_cast %reduce_sum3A_48 : vector<16xi32> to vector<16x1xi32>
      %ge3A_50 = arith.constant 64 : i32
      %ge3A_51 = vector.broadcast %ge3A_50 : i32 to vector<16x1xi32>
      %ge3A_52 = arith.cmpi sge, %broadcast_in_dim3A_49, %ge3A_51 : vector<16x1xi32>
      %select_n3A_53 = arith.select %ge3A_52, %or3A_43, %scan3A_39 : vector<16x1xi1>, vector<16x1xi32>
      scf.yield %select_n3A_53 : vector<16x1xi32>
    }
    %scan3A_12 = arith.constant 32 : i32
    %xor3A_13 = arith.constant -2147483648 : i32
    %xor3A_14 = vector.broadcast %xor3A_13 : i32 to vector<16x1xi32>
    %xor3A_15 = arith.xori %scan3A_11, %xor3A_14 : vector<16x1xi32>
    %lt3A_16 = arith.constant 0 : i32
    %lt3A_17 = vector.broadcast %lt3A_16 : i32 to vector<16x1xi32>
    %lt3A_18 = arith.cmpi slt, %xor3A_15, %lt3A_17 : vector<16x1xi32>
    %xor3A_19 = arith.constant 2147483647 : i32
    %xor3A_20 = vector.broadcast %xor3A_19 : i32 to vector<16x1xi32>
    %xor3A_21 = arith.xori %xor3A_15, %xor3A_20 : vector<16x1xi32>
    %select_n3A_22 = arith.select %lt3A_18, %xor3A_21, %xor3A_15 : vector<16x1xi1>, vector<16x1xi32>
    %bitcast_convert_type3A_23 = tpu.bitcast %select_n3A_22 : vector<16x1xi32> -> vector<16x1xf32>
    %reduce_max3A = arith.constant dense<0xFF800000> : vector<16xf32>
    %reduce_max3A_24 = vector.multi_reduction <maximumf>, %get3A_1, %reduce_max3A [1] : vector<16x32128xf32> to vector<16xf32>
    %broadcast_in_dim3A_25 = vector.shape_cast %reduce_max3A_24 : vector<16xf32> to vector<16x1xf32>
    %lt3A_26 = vector.broadcast %bitcast_convert_type3A_23 : vector<16x1xf32> to vector<16x32128xf32>
    %lt3A_27 = arith.cmpf olt, %get3A_1, %lt3A_26 : vector<16x32128xf32>
    %sub3A = vector.broadcast %broadcast_in_dim3A_25 : vector<16x1xf32> to vector<16x32128xf32>
    %sub3A_28 = arith.subf %get3A_1, %sub3A : vector<16x32128xf32>
    %exp3A = math.exp %sub3A_28 : vector<16x32128xf32>
    %jit3A = arith.constant 0.000000e+00 : f32
    %broadcast_in_dim3A_29 = vector.broadcast %jit3A : f32 to vector<16x32128xf32>
    %select_n3A_30 = arith.select %lt3A_27, %broadcast_in_dim3A_29, %exp3A : vector<16x32128xi1>, vector<16x32128xf32>
    %reduce_sum3A = arith.constant dense<0.000000e+00> : vector<16xf32>
    %reduce_sum3A_31 = vector.multi_reduction <add>, %select_n3A_30, %reduce_sum3A [1] : vector<16x32128xf32> to vector<16xf32>
    %broadcast_in_dim3A_32 = vector.shape_cast %reduce_sum3A_31 : vector<16xf32> to vector<16x1xf32>
    %div3A = arith.constant 1.000000e+00 : f32
    %div3A_33 = vector.broadcast %div3A : f32 to vector<16x1xf32>
    %div3A_34 = arith.divf %div3A_33, %broadcast_in_dim3A_32 : vector<16x1xf32>
    %mul3A = vector.broadcast %div3A_34 : vector<16x1xf32> to vector<16x32128xf32>
    %mul3A_35 = arith.mulf %select_n3A_30, %mul3A : vector<16x32128xf32>
    %swap3A = arith.constant 0 : index
    %swap3A_36 = arith.constant 0 : index
    %swap3A_37 = vector.load %arg2[%swap3A, %swap3A_36] : memref<16x32128xf32, #tpu.memory_space<vmem>>, vector<16x32128xf32>
    tpu.vector_store %arg2[%swap3A, %swap3A_36], %mul3A_35 {strides = array<i32>} : memref<16x32128xf32, #tpu.memory_space<vmem>>, vector<16x32128xf32>,
    return
  }
  func.func @transform_0(%arg0: i32) -> (i32, i32) {
    %c0_i32 = arith.constant 0 : i32
    %c0_i32_0 = arith.constant 0 : i32
    return %arg0, %c0_i32 : i32, i32
  }
  func.func @transform_1(%arg0: i32) -> (i32, i32) {
    %c0_i32 = arith.constant 0 : i32
    %c0_i32_0 = arith.constant 0 : i32
    return %arg0, %c0_i32 : i32, i32
  }
}

</mosaic_0001>

<sc_bundles>
// kernel: kernel.4.cloned.1.call-start
scs
__scs_entry_jumppad:
0x0: {  	(pc) =	sbr.rel $0x88, $3  }
0x1: {  	(tag) =	ssettag $0x0;
	lr =	simm.s32 $0x1  }
0x2: {  	[smem:$0x3FA0] =	sst lr;
	_ =	strace $0xD0000000  }
0x3: {  	_ = 	snop  }
0x4: {  	_ = 	snop  }
0x5: {  	_ = 	snop  }
0x6: {  	_ = 	snop  }
0x7: {  	_ = 	snop  }
__scs_overlays_trampoline_lowered:
0x8: {  	[smem:$0x3FAF] =	sst s0  }
0x9: {  	[smem:$0x3FB0] =	sst s1  }
0xa: {  	[smem:$0x3FB1] =	sst s2  }
0xb: {  	[smem:$0x3FB2] =	sst s3  }
0xc: {  	[smem:$0x3FB3] =	sst s4  }
0xd: {  	[smem:$0x3FB4] =	sst s5  }
0xe: {  	[smem:$0x3FB5] =	sst s6  }
0xf: {  	[smem:$0x3FB6] =	sst s7  }
0x10: {  	[smem:$0x3FB7] =	sst s8  }
0x11: {  	[smem:$0x3FB8] =	sst s9;
	s0 =	simm.s32 @!p0 $0x0  }
0x12: {  	s1 =	sld [smem:$0x3F9E];
	s0 =	simm.s32 @p0 $0x1  }
0x13: {  	[smem:$0x3FB9] =	sst s0;
	s0 =	simm.s32 @!p1 $0x0  }
0x14: {  	s2 =	sld [smem:$0x3F9D];
	s0 =	simm.s32 @p1 $0x1  }
0x15: {  	[smem:$0x3FBA] =	sst s0;
	s0 =	simm.s32 @!p2 $0x0  }
0x16: {  	s3 =	sld [smem:$0x3FDB];
	s0 =	simm.s32 @p2 $0x1  }
0x17: {  	s4 =	simm.s32 $0x1BF5;
	[smem:$0x3FBC] =	sst s0  }
0x18: {  	s0 =	sld [smem:$0x3F9F];
	_ =	swait.ge [sflag:s4], $0x0  }
0x19: {  	s7 =	sld [smem:$0x3FA0]  }
0x1a: {  	s8 =	sadd.s32 $0xFFFFE003, lr  }
0x1b: {  	s9 =	sadd.s32 $0xFFFFFEF7, lr;
	s5 =	simm.s32 $0xFFFFFFFF;
	p2 =	slt.u32 s8, $0xFFFFF086  }
0x1c: {  	p1 =	slt.u32 s9, $0xF7A;
	s5 =	simm.s32 @!p2 $0x0  }
0x1d: {  	s5 =	simm.s32 @p1 $0x1;
	p0 =	seq.s32 s7, s2  }
0x1e: {  	s7 =	smul.u32 @!p0 $0xF7A, s2;
	p2 =	seq.s32 @!p0 s5, $0x0  }
0x1f: {  	s9 =	smul.u32 $0xF7A, s1;
	s8 =	simm.s32 @!p0 $0x1BF5;
	p2 =	por !p2, p0  }
0x20: {  	[sflag:s8] =	ssyncset.s32 @!p0 $0xFFFFF086;
	s6 =	sadd.s32 @!p0 s3, s7;
	s7 =	simm.s32 @!p0 $0x108  }
0x21: {  	s3 =	sadd.s32 s3, s9;
	s6 =	sadd.s32 @!p0 $0x88, s6;
	s7 =	simm.s32 @p2 $0x1082  }
0x22: {  	[simem:s7], [sflag:s8] =	dma.local @!p0 [hbm:s6], $0xF7A  }
0x23: {  	s9 =	sor.u32 $0xD0000000, s2;
	s6 =	simm.s32 $0x108;
	_ =	swait.ge @!p0 [sflag:s8], $0x0  }
0x24: {  	s3 =	sadd.s32 $0x88, s3;
	s6 =	simm.s32 @!p1 $0x1082;
	[sflag:s4] =	ssyncset.s32 $0xFFFFF086  }
0x25: {  	[simem:s6], [sflag:s4] =	dma.local [hbm:s3], $0xF7A  }
0x26: {  	[smem:$0x3FA0] =	sst s1;
	(tag) =	ssettag s2;
	_ =	strace s9  }
0x27: {  	s1 =	sld [smem:$0x3FB0]  }
0x28: {  	s2 =	sld [smem:$0x3FB1]  }
0x29: {  	s4 =	sld [smem:$0x3FB3]  }
0x2a: {  	p0 =	seq.s32 s5, $0x0;
	s5 =	sld [smem:$0x3FB4]  }
0x2b: {  	s6 =	sld [smem:$0x3FB5]  }
0x2c: {  	s7 =	sld [smem:$0x3FB6]  }
0x2d: {  	s3 =	simm.s32 $0x108;
	s8 =	sld [smem:$0x3FB7]  }
0x2e: {  	s3 =	simm.s32 @!p0 $0x1082;
	s9 =	sld [smem:$0x3FB8]  }
0x2f: {  	lr =	sadd.s32 s0, s3;
	s0 =	sld [smem:$0x3FAF]  }
0x30: {  	s3 =	sld [smem:$0x3FB2]  }
0x31: {  	[smem:$0x3FBB] =	sst s10  }
0x32: {  	s10 =	sld [smem:$0x3FB9];
	_ =	sdelay $0x3  }
0x33: {  	p0 =	seq.s32 s10, $0x1;
	s10 =	sld [smem:$0x3FBB];
	_ =	sdelay $0x3  }
0x34: {  	[smem:$0x3FBB] =	sst s10  }
0x35: {  	s10 =	sld [smem:$0x3FBA];
	_ =	sdelay $0x3  }
0x36: {  	p1 =	seq.s32 s10, $0x1;
	s10 =	sld [smem:$0x3FBB];
	_ =	sdelay $0x3  }
0x37: {  	[smem:$0x3FBB] =	sst s10  }
0x38: {  	s10 =	sld [smem:$0x3FBC]  }
0x39: {  	_ = 	snop;
	(pc) =	sbr.ind lr, $3  }
0x3a: {  	_ = 	snop  }
0x3b: {  	_ = 	snop  }
0x3c: {  	p2 =	seq.s32 s10, $0x1;
	s10 =	sld [smem:$0x3FBB]  }
0x3d: {  	_ =	shalt  }
0x3e: {  	_ =	shalt  }
0x3f: {  	_ =	shalt  }
0x40: {  	_ =	shalt  }
0x41: {  	_ =	shalt  }
0x42: {  	_ =	shalt  }
0x43: {  	_ =	shalt  }
0x44: {  	_ =	shalt  }
0x45: {  	_ =	shalt  }
0x46: {  	_ =	shalt  }
0x47: {  	_ =	shalt  }
0x48: {  	_ =	shalt  }
0x49: {  	_ =	shalt  }
0x4a: {  	_ =	shalt  }
0x4b: {  	_ =	shalt  }
0x4c: {  	_ =	shalt  }
0x4d: {  	_ =	shalt  }
0x4e: {  	_ =	shalt  }
0x4f: {  	_ =	shalt  }
0x50: {  	_ =	shalt  }
0x51: {  	_ =	shalt  }
0x52: {  	_ =	shalt  }
0x53: {  	_ =	shalt  }
0x54: {  	_ =	shalt  }
0x55: {  	_ =	shalt  }
0x56: {  	_ =	shalt  }
0x57: {  	_ =	shalt  }
0x58: {  	_ =	shalt  }
0x59: {  	_ =	shalt  }
0x5a: {  	_ =	shalt  }
0x5b: {  	_ =	shalt  }
0x5c: {  	_ =	shalt  }
0x5d: {  	_ =	shalt  }
0x5e: {  	_ =	shalt  }
0x5f: {  	_ =	shalt  }
0x60: {  	_ =	shalt  }
0x61: {  	_ =	shalt  }
0x62: {  	_ =	shalt  }
0x63: {  	_ =	shalt  }
0x64: {  	_ =	shalt  }
0x65: {  	_ =	shalt  }
0x66: {  	_ =	shalt  }
0x67: {  	_ =	shalt  }
0x68: {  	_ =	shalt  }
0x69: {  	_ =	shalt  }
0x6a: {  	_ =	shalt  }
0x6b: {  	_ =	shalt  }
0x6c: {  	_ =	shalt  }
0x6d: {  	_ =	shalt  }
0x6e: {  	_ =	shalt  }
0x6f: {  	_ =	shalt  }
0x70: {  	_ =	shalt  }
0x71: {  	_ =	shalt  }
0x72: {  	_ =	shalt  }
0x73: {  	_ =	shalt  }
0x74: {  	_ =	shalt  }
0x75: {  	_ =	shalt  }
0x76: {  	_ =	shalt  }
0x77: {  	_ =	shalt  }
0x78: {  	_ =	shalt  }
0x79: {  	_ =	shalt  }
0x7a: {  	_ =	shalt  }
0x7b: {  	_ =	shalt  }
0x7c: {  	_ =	shalt  }
0x7d: {  	_ =	shalt  }
0x7e: {  	_ =	shalt  }
0x7f: {  	_ =	shalt  }
0x80: {  	_ =	shalt  }
0x81: {  	_ =	shalt  }
0x82: {  	_ =	shalt  }
0x83: {  	_ =	shalt  }
0x84: {  	_ =	shalt  }
0x85: {  	_ =	shalt  }
0x86: {  	_ =	shalt  }
0x87: {  	_ =	shalt  }
.Lfunc_end0:
.L_simem_size_0:
called_computation_lowered:
.L_overlay_start_0:
0x88: {  	s2 =	sld [smem:$0x3FD9]  }
0x89: {  	s3 =	sld [smem:$0x3FFE];
	_ =	sdelay $0x1  }
0x8a: {  	s1 =	srdreg.scid  }
0x8b: {  	s0 =	sand.u32 $0x1, s1  }
0x8c: {  	s16 =	sshll.u32 s0, $0xA;
	s2 =	sadd.s32 s3, s2  }
0x8d: {  	s2 =	sadd.s32 s2, s16  }
0x8e: {  	[smem:$0x3FC7] =	sst s2  }
0x8f: {  	_ = 	snop  }
0x90: {  	(tm) =	ssettm $0x1  }
0x91: {  	s17 =	sld [smem:$0x3FFB];
	_ =	sdelay $0x3  }
0x92: {  	_ =	strace s17  }
0x93: {  	s2 =	sld [smem:$0x3FFC];
	_ =	sdelay $0x3  }
0x94: {  	_ =	strace s2  }
0x95: {  	s2 =	sld [smem:$0x3FFD];
	_ =	sdelay $0x3  }
0x96: {  	_ =	strace s2  }
0x97: {  	_ =	strace $0x8FFFFFFF  }
0x98: {  	s18 =	sld [smem:$0x3FDB];
	_ =	sdelay $0x1  }
0x99: {  	s19 =	simm.s32 $_scs_section_size  }
0x9a: {  	s4 =	simm.s32 $_size__tile_overlayer_lowered;
	s5 =	simm.s32 $_tile_overlayer_lowered  }
0x9b: {  	s22 =	simm.s32 $0x1BFF;
	s21 =	sshll.u32 s5, $0x1;
	s2 =	sadd.s32 s19, s18  }
0x9c: {  	s6 =	simm.s32 $0x0;
	s20 =	sshll.u32 s4, $0x1;
	s4 =	sadd.s32 s21, s2  }
0x9d: {  	[timem:s6], [sflag:s22] =	dma.local [hbm:s4], s20  }
0x9e: {  	_ =	swait.ge [sflag:s22], s20  }
0x9f: {  	s3 =	ssub.s32 $0x0, s20;
	[sflag:s22] =	ssyncset.done $0x0  }
0xa0: {  	[sflag:s22] =	ssyncadd.s32 s3;
	_ =	sdelay $0x1  }
0xa1: {  	s23 =	simm.s32 $0x1B8B  }
0xa2: {  	_ =	swait.ge [sflag:s23], $0x1  }
0xa3: {  	[sflag:s23] =	ssyncset.done $0x0  }
0xa4: {  	s25 =	simm.s32 $0x1B8E;
	s24 =	sld [smem:$0x3FFE];
	[sflag:s23] =	ssyncadd.s32 $0xFFFFFFFF  }
0xa5: {  	s26 =	simm.s32 $execute0_lowered;
	[smem:$0x3FD2] =	sst s25  }
0xa6: {  	s4 =	sshll.u32 s26, $0x1;
	_ =	strace $0x80000046;
	[dreg:$0x1] =	wrdreg $0xFFFFFFFF  }
0xa7: {  	s28 =	simm.s32 $_size_execute0_lowered;
	s2 =	sadd.s32 s2, s4;
	[dreg:$0x0] =	wrdreg $0x0  }
0xa8: {  	s4 =	sshll.u32 s28, $0x1;
	[dreg:$0x2] =	wrdreg s2  }
0xa9: {  	[dreg:$0x3] =	wrdreg s4  }
0xaa: {  	[dreg:$0x4] =	wrdreg $0xC0  }
0xab: {  	_ =	task [dreg:s6], $0x5FFFF  }
0xac: {  	[dreg:$0x1] =	wrdreg $0xFFFFFFFF  }
0xad: {  	[dreg:$0x0] =	wrdreg $0x60  }
0xae: {  	[dreg:$0x2] =	wrdreg s24  }
0xaf: {  	[dreg:$0x3] =	wrdreg $0x9  }
0xb0: {  	_ =	task.clear_ibuf [dreg:s6], $0x4FFFF;
	_ =	strace $0x90000046  }
0xb1: {  	s29 =	simm.s32 $0x9;
	_ =	strace $0x80000048  }
0xb2: {  	_ =	swait.ge [sflag:s29], $0x1  }
0xb3: {  	[sflag:s29] =	ssyncadd.s32 $0xFFFFFFFF  }
0xb4: {  	_ =	strace $0x90000048  }
0xb5: {  	_ =	sfence  }
0xb6: {  	s30 =	sld [smem:$0x0];
	_ =	sdelay $0x2  }
0xb7: {  	s31 =	sshll.u32 s1, $0xD;
	s1 =	sshrl.u32 s1, $0x2  }
0xb8: {  	s3 =	sand.u32 $0x4000, s31;
	s1 =	sadd.s32 s1, s30  }
0xb9: {  	s0 =	sor.u32 s3, s0;
	s1 =	sshll.u32 s1, $0x11  }
0xba: {  	s0 =	sor.u32 s1, s0  }
0xbb: {  	s0 =	sadd.s32 $0x8F2B, s0  }
0xbc: {  	[sflag:s0] =	ssyncadd.remote.s32 $0x1  }
0xbd: {  	_ =	sfence.sel $0xFFFF  }
0xbe: {  	[dreg:$0x0] =	wrdreg $0xFFFFFFFF;
	(pc) =	sbr.abs _section_cstart, $3  }
0xbf: {  	[dreg:$0x1] =	wrdreg $0xFFFFFFFF  }
0xc0: {  	_ =	task.clear_ibuf [dreg:s6], $0x2FFFF;
	_ =	strace $0x9FFFFFFF  }
0xc1: {  	(tm) =	ssettm $0x7FFFFFFF  }
tec
execute0_lowered:
.L_overlay_start_1:
0x0: {  	(tag) =	ssettag $0x1  }
0x1: {  	s3 =	rddreg [dreg:$0x0];
	s1 =	srdreg.scid  }
0x2: {  	s0 =	stileid.u32;
	s7 =	simm.s32 $0x80;
	s8 =	simm.s32 $0x400  }
0x3: {  	s9 =	simm.s32 $0x1;
	s10 =	simm.s32 $0x7D80;
	s11 =	simm.s32 $0x0  }
0x4: {  	s4 =	sand.u32 $0x1, s1;
	s30 =	sshrl.u32 s0, $0x2;
	s2 =	sshll.u32 s0, $0x8  }
0x5: {  	s5 =	smul.u32 $0x3EC00, s30;
	s6 =	sshll.u32 s4, $0x7;
	s2 =	sand.u32 $0x300, s2  }
0x6: {  	s1 =	rddreg [dreg:$0x1];
	s4 =	ssub.s32 $0x2, s4;
	s6 =	sor.u32 s6, s2  }
0x7: {  	s2 =	simm.s32 $0x0;
	s31 =	sshrl.u32 s4, $0x1;
	s5 =	sor.u32 s5, s6  }
0x8: {  	[smem:$0x7FF] =	sst s2;
	s6 =	ssub.s32 s4, s31;
	s5 =	sshrl.u32 s5, $0x3  }
0x9: {  	_ =	strace $0x80000047;
	s6 =	smax.u32 s6, $0x1;
	s5 =	sadd.s32 s5, s3  }
0xa: {  	v0 =	vimm.s32 $0x0;
	s3 =	sadd.s32 $0x20A00, s5;
	s4 =	sadd.s32 $0x1400, s5;
	s5 =	sadd.s32 $0x40000, s5  }
.LBB2_1:
0xb: {  	[tilespmem:s2], [sflag:$0x1] =	stream.strided.gather [hbm4b:s3+s7], $0x7D80, s8, s7, $0x38;
	[tilespmem:$0xFC00] =	vst v63  }
0xc: {  	_ =	swait.ge [sflag:s9], $0x7D80  }
0xd: {  	[sflag:s9] =	ssyncset.done $0x0  }
0xe: {  	[sflag:s9] =	ssyncadd.s32 $0xFFFF8280  }
0xf: {  	[tilespmem:s10], [sflag:$0x1] =	stream.strided.gather [hbm4b:s4+s7], $0x7D80, s8, s7, $0x38;
	[tilespmem:$0xFC00] =	vst v63  }
0x10: {  	_ =	swait.ge [sflag:s9], $0x7D80  }
0x11: {  	[sflag:s9] =	ssyncset.done $0x0  }
0x12: {  	s14 =	simm.s32 $0x7DA0;
	[sflag:s9] =	ssyncadd.s32 $0xFFFF8280  }
0x13: {  	s12 =	simm.s32 $0x20;
	v5 =	vld [tilespmem:s14+$0xFFFFFFF0]  }
0x14: {  	v2 =	vld [tilespmem:s12+$0x10]  }
0x15: {  	v1 =	vld [tilespmem:s12+$0xFFFFFFF0]  }
0x16: {  	v4 =	vld [tilespmem:s12+$0xFFFFFFE0]  }
0x17: {  	v9 =	vld [tilespmem:s14+$0x10]  }
0x18: {  	v8 =	vimm.s32 $0x80000000;
	v6 =	vld [tilespmem:s12+$0x0]  }
0x19: {  	v3 =	vimm.f32 $-Inf;
	v11 =	vimm.s32 $0x80000000;
	v13 =	vld [tilespmem:s14+$0x0];
	vm0 =	vgt.s32 v8, v5  }
0x1a: {  	s13 =	simm.s32 $0x0;
	v10 =	vimm.s32 $0x80000000;
	v12 =	vld [tilespmem:s14+$0xFFFFFFE0];
	s14 =	simm.s32 $0x7DE0;
	v7 =	vsel vm0, v8, v5;
	v5 =	vimm.f32 $-Inf  }
.LBB2_2:
0x1b: {  	v14 =	vld [tilespmem:s14+$0xFFFFFFF0];
	s13 =	sadd.s32 $0x4, s13;
	v3 =	vmax.f32 v3, v4;
	s12 =	sadd.s32 $0x40, s12  }
0x1c: {  	v15 =	vld [tilespmem:s12+$0x10];
	p0 =	slt.u32 s13, $0x7D4;
	v3 =	vmax.f32 v3, v1;
	vm0 =	vgt.s32 v8, v9  }
0x1d: {  	v1 =	vld [tilespmem:s12+$0xFFFFFFF0];
	v5 =	vmax.f32 v5, v6  }
.Ltmp0:
0x1e: {  	v4 =	vld [tilespmem:s12+$0xFFFFFFE0];
	v5 =	vmax.f32 v5, v2;
	vm1 =	vgt.s32 v11, v13;
	(pc) =	sbr.rel @p0 .LBB2_2-.Ltmp0, $4  }
0x1f: {  	v8 =	vsel vm0, v8, v9;
	vm2 =	vgt.s32 v10, v12;
	v11 =	vsel vm1, v11, v13;
	v9 =	vld [tilespmem:s14+$0x10]  }
0x20: {  	v6 =	vld [tilespmem:s12+$0x0];
	vm0 =	vgt.s32 v7, v14;
	v10 =	vsel vm2, v10, v12  }
0x21: {  	v7 =	vsel vm0, v7, v14;
	v13 =	vld [tilespmem:s14+$0x0];
	v2 =	vmov v15  }
0x22: {  	v12 =	vld [tilespmem:s14+$0xFFFFFFE0];
	s14 =	sadd.s32 $0x40, s14  }
0x23: {  	_ =	sdelay $0x3  }
0x24: {  	vm0 =	vgt.s32 v8, v9;
	vm1 =	vgt.s32 v11, v13;
	vm2 =	vgt.s32 v10, v12  }
0x25: {  	v8 =	vsel vm0, v8, v9;
	v11 =	vsel vm1, v11, v13;
	v53 =	vsel vm2, v10, v12  }
0x26: {  	vm1 =	vgt.s32 v11, v8;
	vm12 =	vgt.s32 v53, v7  }
0x27: {  	v54 =	vsel vm1, v8, v11;
	v10 =	vsel vm12, v7, v53  }
0x28: {  	vm13 =	vlt.s32 v10, v54  }
0x29: {  	v10 =	vsel vm13, v10, v54  }
0x2a: {  	[tilespmem:$0xFB80] =	vst v10  }
0x2b: {  	[tilespmem:$0xFB90] =	vst v10  }
0x2c: {  	v55 =	vld [tilespmem:$0xFB81];
	_ =	sdelay $0x4  }
0x2d: {  	vm2 =	vlt.s32 v10, v55  }
0x2e: {  	v10 =	vsel vm2, v10, v55  }
0x2f: {  	[tilespmem:$0xFB80] =	vst v10  }
0x30: {  	[tilespmem:$0xFB90] =	vst v10  }
0x31: {  	v56 =	vld [tilespmem:$0xFB82];
	_ =	sdelay $0x4  }
0x32: {  	vm2 =	vlt.s32 v10, v56  }
0x33: {  	v10 =	vsel vm2, v10, v56  }
0x34: {  	[tilespmem:$0xFB80] =	vst v10  }
0x35: {  	[tilespmem:$0xFB90] =	vst v10  }
0x36: {  	v57 =	vld [tilespmem:$0xFB84];
	_ =	sdelay $0x4  }
0x37: {  	vm2 =	vlt.s32 v10, v57  }
0x38: {  	v8 =	vsel vm1, v11, v8;
	v7 =	vsel vm12, v53, v7;
	v10 =	vsel vm2, v10, v57  }
0x39: {  	vm0 =	vgt.s32 v7, v8;
	[tilespmem:$0xFB80] =	vst v10  }
0x3a: {  	v7 =	vsel vm0, v7, v8;
	[tilespmem:$0xFB90] =	vst v10  }
0x3b: {  	v58 =	vld [tilespmem:$0xFB88];
	[tilespmem:$0xFB80] =	vst v7  }
0x3c: {  	[tilespmem:$0xFB90] =	vst v7  }
0x3d: {  	v59 =	vld [tilespmem:$0xFB81];
	_ =	sdelay $0x4  }
0x3e: {  	vm0 =	vgt.s32 v7, v59  }
0x3f: {  	v7 =	vsel vm0, v7, v59  }
0x40: {  	[tilespmem:$0xFB80] =	vst v7  }
0x41: {  	[tilespmem:$0xFB90] =	vst v7  }
0x42: {  	v60 =	vld [tilespmem:$0xFB82];
	_ =	sdelay $0x4  }
0x43: {  	vm0 =	vgt.s32 v7, v60  }
0x44: {  	v7 =	vsel vm0, v7, v60  }
0x45: {  	[tilespmem:$0xFB80] =	vst v7  }
0x46: {  	[tilespmem:$0xFB90] =	vst v7  }
0x47: {  	v61 =	vld [tilespmem:$0xFB84];
	_ =	sdelay $0x4  }
0x48: {  	vm0 =	vgt.s32 v7, v61  }
0x49: {  	v7 =	vsel vm0, v7, v61  }
0x4a: {  	[tilespmem:$0xFB80] =	vst v7  }
0x4b: {  	[tilespmem:$0xFB90] =	vst v7  }
0x4c: {  	v62 =	vld [tilespmem:$0xFB88];
	_ =	sdelay $0x4  }
0x4d: {  	vm14 =	vlt.s32 v10, v58;
	vm15 =	vgt.s32 v7, v62  }
0x4e: {  	v8 =	vsel vm14, v10, v58;
	v7 =	vsel vm15, v7, v62  }
0x4f: {  	v8 =	vxor.u32 v8, v7  }
0x50: {  	v63 =	vshrl.u32 v8, $0x1  }
0x51: {  	v8 =	vor.u32 v8, v63  }
0x52: {  	v9 =	vshrl.u32 v8, $0x2  }
0x53: {  	v8 =	vor.u32 v8, v9  }
0x54: {  	v9 =	vshrl.u32 v8, $0x4  }
0x55: {  	v8 =	vor.u32 v8, v9  }
0x56: {  	v9 =	vshrl.u32 v8, $0x8  }
0x57: {  	v8 =	vor.u32 v8, v9  }
0x58: {  	v9 =	vshrl.u32 v8, $0x10  }
0x59: {  	v8 =	vor.u32 v8, v9  }
0x5a: {  	v3 =	vmax.f32 v3, v4;
	v4 =	vshrl.u32 v8, $0x1;
	(v2sf) =	vpush v8, $0x0  }
0x5b: {  	(v2sf) =	vpush v4, $0x0;
	_ =	sdelay $0x2  }
0x5c: {  	v5 =	vmax.f32 v5, v6  }
0x5d: {  	v1 =	vmax.f32 v3, v1;
	v2 =	vmax.f32 v5, v2  }
0x5e: {  	v1 =	vmax.f32 v1, v2  }
0x5f: {  	[tilespmem:$0xFB00] =	vst v1  }
0x60: {  	[tilespmem:$0xFB10] =	vst v1  }
0x61: {  	v2 =	vld [tilespmem:$0xFB01];
	_ =	sdelay $0x4  }
0x62: {  	v1 =	vmax.f32 v1, v2  }
0x63: {  	[tilespmem:$0xFB00] =	vst v1;
	s12 =	spop (v2sf)  }
0x64: {  	[tilespmem:$0xFB10] =	vst v1;
	s13 =	spop (v2sf)  }
0x65: {  	v2 =	vld [tilespmem:$0xFB02];
	s13 =	sand.u32 $0x55555555, s13  }
0x66: {  	s12 =	ssub.s32 s12, s13  }
0x67: {  	s13 =	sshrl.u32 s12, $0x2  }
0x68: {  	s12 =	sand.u32 $0x33333333, s12;
	s13 =	sand.u32 $0x33333333, s13  }
0x69: {  	s12 =	sadd.s32 s12, s13  }
0x6a: {  	v1 =	vmax.f32 v1, v2;
	s13 =	sshrl.u32 s12, $0x4  }
0x6b: {  	[tilespmem:$0xFB00] =	vst v1;
	s12 =	sadd.s32 s12, s13  }
0x6c: {  	[tilespmem:$0xFB10] =	vst v1;
	s12 =	sand.u32 $0xF0F0F0F, s12  }
0x6d: {  	v2 =	vld [tilespmem:$0xFB04];
	s12 =	smul.u32 $0x1010101, s12;
	_ =	sdelay $0x1  }
0x6e: {  	s12 =	sshrl.u32 s12, $0x18  }
0x6f: {  	p0 =	seq.s32 s12, $0x0  }
.Ltmp1:
0x70: {  	_ = 	snop;
	(pc) =	sbr.rel @p0 .LBB2_8-.Ltmp1, $4  }
0x71: {  	v2 =	vmax.f32 v1, v2  }
0x72: {  	[tilespmem:$0xFB00] =	vst v2  }
0x73: {  	[tilespmem:$0xFB10] =	vst v2;
	v1 =	vxor.u32 $0x80000000, v7  }
0x74: {  	v3 =	vld [tilespmem:$0xFB08];
	v1 =	vandn.u32 v1, v8  }
0x75: {  	v4 =	vadd.s32 $0x1, v4;
	s13 =	simm.s32 $0x0  }
.LBB2_5:
0x76: {  	s14 =	simm.s32 $0x7DC0  }
0x77: {  	v7 =	vld [tilespmem:s14+$0x30]  }
0x78: {  	v9 =	vld [tilespmem:s14+$0x10]  }
0x79: {  	v8 =	vld [tilespmem:s14+$0x20]  }
0x7a: {  	v10 =	vld [tilespmem:s14+$0xFFFFFFC0]  }
0x7b: {  	v12 =	vld [tilespmem:s14+$0xFFFFFFF0]  }
0x7c: {  	v14 =	vld [tilespmem:s14+$0xFFFFFFE0]  }
0x7d: {  	v15 =	vld [tilespmem:s14+$0xFFFFFFD0]  }
0x7e: {  	v18 =	vld [tilespmem:s14+$0x0]  }
0x7f: {  	v5 =	vor.u32 v1, v4  }
0x80: {  	v6 =	vxor.u32 $0x80000000, v5  }
0x81: {  	v11 =	vimm.s32 $0x0;
	s14 =	simm.s32 $0x7E40;
	vm0 =	vge.s32 v8, v6;
	vm1 =	vge.s32 v7, v6  }
0x82: {  	v13 =	vld [tilespmem:s14+$0x20];
	vm2 =	vge.s32 v10, v6;
	vm3 =	vge.s32 v9, v6;
	vm12 =	vge.s32 v12, v6  }
0x83: {  	v8 =	vld [tilespmem:s14+$0x30];
	vm13 =	vge.s32 v14, v6;
	vm14 =	vge.s32 v15, v6;
	vm15 =	vge.s32 v18, v6  }
0x84: {  	v9 =	vld [tilespmem:s14+$0x10];
	v10 =	vsel vm0, $0x1, v0;
	v7 =	vsel vm2, $0x1, v0;
	v19 =	vsel vm1, $0x1, v0  }
0x85: {  	v14 =	vld [tilespmem:s14+$0xFFFFFFC0];
	v20 =	vsel vm14, $0x1, v0;
	v16 =	vadd.s32 v7, v11;
	v7 =	vsel vm12, $0x1, v0  }
0x86: {  	v12 =	vld [tilespmem:s14+$0xFFFFFFF0];
	v17 =	vsel vm13, $0x1, v0;
	v18 =	vadd.s32 v20, v11;
	v7 =	vadd.s32 v7, v11  }
0x87: {  	s15 =	simm.s32 $0x8;
	v15 =	vld [tilespmem:s14+$0xFFFFFFE0];
	v20 =	vsel vm3, $0x1, v0;
	v7 =	vadd.s32 v19, v7;
	v19 =	vsel vm15, $0x1, v0  }
.LBB2_6:
0x88: {  	s15 =	sadd.s32 $0x8, s15;
	v21 =	vld [tilespmem:s14+$0xFFFFFFD0];
	v11 =	vadd.s32 v17, v11;
	v16 =	vadd.s32 v19, v16;
	v18 =	vadd.s32 v20, v18  }
0x89: {  	vm1 =	vge.s32 v8, v6;
	p0 =	slt.u32 s15, $0x7D0;
	v19 =	vld [tilespmem:s14+$0x0];
	vm0 =	vge.s32 v13, v6;
	s14 =	sadd.s32 $0x80, s14;
	v11 =	vadd.s32 v10, v11  }
0x8a: {  	vm3 =	vge.s32 v9, v6;
	v8 =	vld [tilespmem:s14+$0x30];
	vm2 =	vge.s32 v14, v6;
	v10 =	vsel vm0, $0x1, v0  }
.Ltmp2:
0x8b: {  	v20 =	vsel vm1, $0x1, v0;
	v9 =	vld [tilespmem:s14+$0x10];
	v14 =	vsel vm2, $0x1, v0;
	vm0 =	vge.s32 v12, v6;
	(pc) =	sbr.rel @p0 .LBB2_6-.Ltmp2, $4  }
0x8c: {  	v13 =	vld [tilespmem:s14+$0x20];
	v16 =	vadd.s32 v14, v16;
	vm1 =	vge.s32 v15, v6;
	v12 =	vsel vm0, $0x1, v0  }
0x8d: {  	v14 =	vld [tilespmem:s14+$0xFFFFFFC0];
	vm0 =	vge.s32 v21, v6;
	v17 =	vsel vm1, $0x1, v0;
	v7 =	vadd.s32 v12, v7  }
0x8e: {  	v12 =	vld [tilespmem:s14+$0xFFFFFFF0];
	v21 =	vsel vm0, $0x1, v0;
	vm0 =	vge.s32 v19, v6;
	v7 =	vadd.s32 v20, v7  }
0x8f: {  	v20 =	vsel vm3, $0x1, v0;
	v15 =	vld [tilespmem:s14+$0xFFFFFFE0];
	v18 =	vadd.s32 v21, v18;
	v19 =	vsel vm0, $0x1, v0  }
0x90: {  	v21 =	vld [tilespmem:s14+$0xFFFFFFD0];
	v11 =	vadd.s32 v17, v11  }
0x91: {  	v16 =	vadd.s32 v19, v16;
	v54 =	vadd.s32 v20, v18;
	v55 =	vld [tilespmem:s14+$0x0];
	vm1 =	vge.s32 v8, v6  }
0x92: {  	vm3 =	vge.s32 v9, v6;
	vm0 =	vge.s32 v13, v6;
	v56 =	vadd.s32 v10, v11  }
0x93: {  	v59 =	vsel vm1, $0x1, v0;
	v63 =	vsel vm3, $0x1, v0;
	vm2 =	vge.s32 v14, v6  }
0x94: {  	v57 =	vsel vm0, $0x1, v0;
	v58 =	vsel vm2, $0x1, v0;
	vm11 =	vge.s32 v12, v6  }
0x95: {  	v10 =	vadd.s32 v58, v16;
	vm12 =	vge.s32 v15, v6;
	vm13 =	vge.s32 v21, v6  }
0x96: {  	v12 =	vsel vm11, $0x1, v0;
	vm14 =	vge.s32 v55, v6;
	v61 =	vsel vm13, $0x1, v0  }
0x97: {  	v60 =	vsel vm12, $0x1, v0;
	v62 =	vsel vm14, $0x1, v0;
	v6 =	vadd.s32 v61, v54  }
0x98: {  	v8 =	vadd.s32 v60, v56;
	v10 =	vadd.s32 v62, v10;
	v6 =	vadd.s32 v63, v6  }
0x99: {  	v7 =	vadd.s32 v12, v7;
	v8 =	vadd.s32 v57, v8;
	v6 =	vadd.s32 v10, v6  }
0x9a: {  	v7 =	vadd.s32 v59, v7;
	v6 =	vadd.s32 v8, v6  }
0x9b: {  	v6 =	vadd.s32 v7, v6  }
0x9c: {  	[tilespmem:$0xFB80] =	vst v6  }
0x9d: {  	[tilespmem:$0xFB90] =	vst v6  }
0x9e: {  	v7 =	vld [tilespmem:$0xFB81];
	_ =	sdelay $0x4  }
0x9f: {  	v6 =	vadd.s32 v6, v7  }
0xa0: {  	[tilespmem:$0xFB80] =	vst v6  }
0xa1: {  	[tilespmem:$0xFB90] =	vst v6  }
0xa2: {  	v7 =	vld [tilespmem:$0xFB82];
	_ =	sdelay $0x4  }
0xa3: {  	v6 =	vadd.s32 v6, v7  }
0xa4: {  	[tilespmem:$0xFB80] =	vst v6  }
0xa5: {  	[tilespmem:$0xFB90] =	vst v6  }
0xa6: {  	v7 =	vld [tilespmem:$0xFB84];
	_ =	sdelay $0x4  }
0xa7: {  	v6 =	vadd.s32 v6, v7  }
0xa8: {  	[tilespmem:$0xFB80] =	vst v6  }
0xa9: {  	[tilespmem:$0xFB90] =	vst v6  }
0xaa: {  	v7 =	vld [tilespmem:$0xFB88]  }
0xab: {  	s13 =	sadd.s32 $0x1, s13  }
0xac: {  	p0 =	sne.s32 s13, s12  }
.Ltmp3:
0xad: {  	_ = 	snop;
	(pc) =	sbr.rel @p0 .LBB2_5-.Ltmp3, $4  }
0xae: {  	_ = 	snop  }
0xaf: {  	v6 =	vadd.s32 v6, v7  }
0xb0: {  	vm15 =	vgt.s32 v6, $0x3F  }
0xb1: {  	v4 =	vshrl.u32 v4, $0x1;
	v1 =	vsel vm15, v5, v1  }
.LBB2_8:
0xb2: {  	s12 =	simm.s32 $0x10  }
0xb3: {  	v4 =	vld [tilespmem:s12+$0x0];
	_ =	sdelay $0x3  }
0xb4: {  	v2 =	vmax.f32 v2, v3  }
0xb5: {  	v3 =	vsub.f32 v4, v2;
	_ =	sdelay $0x1  }
0xb6: {  	v3 =	vmul.f32 $1.442695020e+00, v3;
	_ =	sdelay $0x1  }
0xb7: {  	(erf) = vpow2.f32 v3;
	v3 =	vld [tilespmem:s12+$0xFFFFFFF0];
	_ =	sdelay $0x2  }
0xb8: {  	s13 =	simm.s32 $0x7D90  }
0xb9: {  	v4 =	vld [tilespmem:s13+$0x0]  }
0xba: {  	v3 =	vsub.f32 v3, v2;
	_ =	sdelay $0x1  }
0xbb: {  	v6 =	vmul.f32 $1.442695020e+00, v3  }
0xbc: {  	v1 =	vxor.u32 $0x80000000, v1  }
0xbd: {  	vm0 =	vlt.s32 v4, v1;
	v4 =	vpop (erf);
	(erf) = vpow2.f32 v6;
	_ =	sdelay $0x2  }
0xbe: {  	v3 =	vimm.f32 $0.0e+00;
	v4 =	vsel vm0, $0x0, v4  }
0xbf: {  	s14 =	simm.s32 $0x0;
	s15 =	simm.s32 $0x30;
	v5 =	vld [tilespmem:s13+$0xFFFFFFF0];
	[tilespmem:s12+$0x0] =	vst v4;
	v4 =	vadd.f32 v4, v3  }
.LBB2_9:
0xc0: {  	v6 =	vld [tilespmem:s15+$0x0];
	s14 =	sadd.s32 $0x2, s14  }
0xc1: {  	p0 =	slt.u32 s14, $0x7D6;
	_ =	sdelay $0x2  }
0xc2: {  	vm0 =	vlt.s32 v5, v1;
	v5 =	vpop (erf)  }
0xc3: {  	v6 =	vsub.f32 v6, v2;
	v5 =	vsel vm0, $0x0, v5  }
0xc4: {  	[tilespmem:s12+$0xFFFFFFF0] =	vst v5;
	v3 =	vadd.f32 v5, v3;
	s12 =	smov.u32 s15  }
0xc5: {  	v5 =	vld [tilespmem:s15+$0xFFFFFFF0];
	v6 =	vmul.f32 $1.442695020e+00, v6;
	_ =	sdelay $0x1  }
0xc6: {  	(erf) = vpow2.f32 v6;
	_ =	sdelay $0x2  }
0xc7: {  	s13 =	sadd.s32 $0x20, s13;
	v5 =	vsub.f32 v5, v2  }
0xc8: {  	v6 =	vld [tilespmem:s13+$0x0]  }
0xc9: {  	v5 =	vmul.f32 $1.442695020e+00, v5;
	_ =	sdelay $0x1  }
.Ltmp4:
0xca: {  	(erf) = vpow2.f32 v5;
	(pc) =	sbr.rel @p0 .LBB2_9-.Ltmp4, $4  }
0xcb: {  	_ = 	snop  }
0xcc: {  	vm0 =	vlt.s32 v6, v1;
	v5 =	vpop (erf)  }
0xcd: {  	v6 =	vsel vm0, $0x0, v5  }
0xce: {  	s15 =	sadd.s32 $0x20, s15;
	v5 =	vld [tilespmem:s13+$0xFFFFFFF0];
	[tilespmem:s12+$0x0] =	vst v6;
	v4 =	vadd.f32 v6, v4  }
0xcf: {  	_ =	sdelay $0x3  }
0xd0: {  	vm0 =	vlt.s32 v5, v1;
	v1 =	vpop (erf)  }
0xd1: {  	v1 =	vsel vm0, $0x0, v1  }
0xd2: {  	v2 =	vadd.f32 v1, v3;
	_ =	sdelay $0x1  }
0xd3: {  	v2 =	vadd.f32 v4, v2  }
0xd4: {  	[tilespmem:s12+$0xFFFFFFF0] =	vst v1  }
0xd5: {  	[tilespmem:$0xFB00] =	vst v2  }
0xd6: {  	[tilespmem:$0xFB10] =	vst v2  }
0xd7: {  	v1 =	vld [tilespmem:$0xFB01];
	_ =	sdelay $0x4  }
0xd8: {  	v1 =	vadd.f32 v1, v2;
	_ =	sdelay $0x1  }
0xd9: {  	[tilespmem:$0xFB00] =	vst v1  }
0xda: {  	[tilespmem:$0xFB10] =	vst v1  }
0xdb: {  	v2 =	vld [tilespmem:$0xFB02];
	_ =	sdelay $0x4  }
0xdc: {  	v1 =	vadd.f32 v2, v1;
	_ =	sdelay $0x1  }
0xdd: {  	[tilespmem:$0xFB00] =	vst v1  }
0xde: {  	[tilespmem:$0xFB10] =	vst v1  }
0xdf: {  	v2 =	vld [tilespmem:$0xFB04];
	_ =	sdelay $0x4  }
0xe0: {  	v1 =	vadd.f32 v2, v1;
	_ =	sdelay $0x1  }
0xe1: {  	[tilespmem:$0xFB00] =	vst v1  }
0xe2: {  	[tilespmem:$0xFB10] =	vst v1  }
0xe3: {  	v2 =	vld [tilespmem:$0xFB08];
	_ =	sdelay $0x4  }
0xe4: {  	v1 =	vadd.f32 v2, v1;
	_ =	sdelay $0x1  }
0xe5: {  	(erf) = vrcp.f32 v1;
	_ =	sdelay $0x3  }
0xe6: {  	s13 =	simm.s32 $0x20  }
0xe7: {  	v2 =	vld [tilespmem:s13+$0xFFFFFFE0]  }
0xe8: {  	v4 =	vld [tilespmem:s13+$0x10]  }
0xe9: {  	v5 =	vld [tilespmem:s13+$0x0];
	_ =	sdelay $0x1  }
0xea: {  	v6 =	vld [tilespmem:s13+$0xFFFFFFF0];
	v1 =	vpop (erf)  }
0xeb: {  	s12 =	simm.s32 $0x60;
	v7 =	vmul.f32 v2, v1  }
0xec: {  	v3 =	vld [tilespmem:s12+$0xFFFFFFE0];
	v8 =	vmul.f32 v4, v1  }
0xed: {  	v2 =	vld [tilespmem:s12+$0x10];
	[tilespmem:s13+$0xFFFFFFE0] =	vst v7;
	v7 =	vmul.f32 v5, v1  }
0xee: {  	v4 =	vld [tilespmem:s12+$0x0];
	[tilespmem:s13+$0x10] =	vst v8  }
0xef: {  	s14 =	simm.s32 $0x4;
	v6 =	vmul.f32 v6, v1;
	v5 =	vld [tilespmem:s12+$0xFFFFFFF0];
	[tilespmem:s13+$0x0] =	vst v7  }
.LBB2_11:
0xf0: {  	s14 =	sadd.s32 $0x4, s14  }
0xf1: {  	[tilespmem:s13+$0xFFFFFFF0] =	vst v6;
	s13 =	smov.u32 s12;
	p0 =	slt.u32 s14, $0x7D4  }
.Ltmp5:
0xf2: {  	s12 =	sadd.s32 $0x40, s12;
	v6 =	vmul.f32 v3, v1;
	(pc) =	sbr.rel @p0 .LBB2_11-.Ltmp5, $4  }
0xf3: {  	v3 =	vld [tilespmem:s12+$0xFFFFFFE0];
	v7 =	vmul.f32 v2, v1  }
0xf4: {  	v2 =	vld [tilespmem:s12+$0x10];
	[tilespmem:s13+$0xFFFFFFE0] =	vst v6;
	v8 =	vmul.f32 v4, v1  }
0xf5: {  	v4 =	vld [tilespmem:s12+$0x0];
	v6 =	vmul.f32 v5, v1;
	[tilespmem:s13+$0x10] =	vst v7  }
0xf6: {  	v5 =	vld [tilespmem:s12+$0xFFFFFFF0];
	[tilespmem:s13+$0x0] =	vst v8  }
0xf7: {  	_ = 	snop  }
0xf8: {  	v3 =	vmul.f32 v3, v1  }
0xf9: {  	[tilespmem:s13+$0xFFFFFFF0] =	vst v6;
	v2 =	vmul.f32 v2, v1  }
0xfa: {  	[tilespmem:s12+$0xFFFFFFE0] =	vst v3;
	v3 =	vmul.f32 v4, v1  }
0xfb: {  	s11 =	sadd.s32 $0x1, s11;
	v1 =	vmul.f32 v5, v1;
	[tilespmem:s12+$0x10] =	vst v2  }
0xfc: {  	p0 =	sne.s32 s11, s6;
	[tilespmem:s12+$0x0] =	vst v3  }
.Ltmp6:
0xfd: {  	[tilespmem:s12+$0xFFFFFFF0] =	vst v1;
	(pc) =	sbr.rel @p0 .LBB2_1-.Ltmp6, $4  }
0xfe: {  	[hbm4b:s5+s7] =	stream.strided.scatter [tilespmem:s2], [sflag:$0x1], $0x7D80, s8, s7, $0x38;
	[tilespmem:$0xFC00] =	vst v63  }
0xff: {  	_ =	swait.ge [sflag:s9], $0x7D80  }
0x100: {  	[sflag:s9] =	ssyncset.done $0x0  }
0x101: {  	[sflag:s9] =	ssyncadd.s32 $0xFFFF8280  }
0x102: {  	_ =	sfence.sel $0x180000  }
0x103: {  	[bflag:$0x0] =	sbarrier.arrive $0xFFFF  }
0x104: {  	p0 =	sne.s32 s0, $0x0;
	_ =	strace $0x90000047  }
0x105: {  	s0 =	sadd.s32 @!p0 $0x100000, s1;
	[bflag:$0x2] =	sbarrier.arrive $0xFFFF  }
0x106: {  	[sflag:s0] =	ssyncadd.tile.s32 @!p0 $0x1;
	_ =	shalt  }
.Lfunc_end2:
_tile_overlayer_lowered:
.L_overlay_start_2:
0x107: {  	(tag) =	ssettag $0x2  }
0x108: {  	s0 =	rddreg [dreg:$0x0];
	s2 =	stileid.u32  }
0x109: {  	s1 =	rddreg [dreg:$0x1];
	p0 =	sne.s32 s2, $0x0  }
0x10a: {  	s3 =	rddreg [dreg:$0x2];
	[bflag:$0x3] =	sbarrier.arrive $0xFFFF;
	s2 =	simm.s32 @!p0 $0x1C01  }
0x10b: {  	[timem:s3], [sflag:s2] =	dma.local @!p0 [hbm:s0], s1  }
0x10c: {  	s0 =	simm.s32 @!p0 $0x1  }
0x10d: {  	_ =	swait.ge @!p0 [sflag:s0], s1  }
0x10e: {  	s1 =	ssub.s32 @!p0 $0x0, s1;
	[sflag:s0] =	ssyncset.done @!p0 $0x0  }
0x10f: {  	[sflag:s0] =	ssyncadd.s32 @!p0 s1  }
0x110: {  	[bflag:$0x3] =	sbarrier.arrive $0xFFFF  }
0x111: {  	_ =	shalt  }

</sc_bundles>
